<compile_context>
chip_gen: v7x
topology: tpu7x:2x2x1
jax: 0.10.2.dev20260603
libtpu: 0.0.44.dev20260713+nightly
codegen_flags: <defaults>
</compile_context>

<pallas_src>
import functools

import jax
import jax.numpy as jnp
from jax import lax
from jax.experimental import pallas as pl
from jax.experimental.pallas import tpu as pltpu
from jax.experimental.pallas import tpu_sc as plsc

N_NODES = 10000
N_EDGES = 160000
D = 256
DH = D // 2
NS = 16
EPW = N_EDGES // NS
CHUNK = 80
NCHUNK = EPW // CHUNK
PAD_N = 10240
ROWS_PER_SUB = PAD_N // NS
ZROWS = 128

_sc_mesh = plsc.VectorSubcoreMesh(core_axis_name="c", subcore_axis_name="s")


@functools.partial(
    pl.kernel,
    out_type=(
        jax.ShapeDtypeStruct((PAD_N, DH), jnp.float32),
        jax.ShapeDtypeStruct((PAD_N, DH), jnp.float32),
    ),
    mesh=_sc_mesh,
    scratch_types=[
        pltpu.VMEM((CHUNK,), jnp.int32),
        pltpu.VMEM((CHUNK,), jnp.int32),
        pltpu.VMEM((CHUNK,), jnp.int32),
        pltpu.VMEM((CHUNK,), jnp.int32),
        pltpu.VMEM((CHUNK, DH), jnp.float32),
        pltpu.VMEM((CHUNK, DH), jnp.float32),
        pltpu.VMEM_SHARED((PAD_N, DH), jnp.float32),
        pltpu.SemaphoreType.DMA,
        pltpu.SemaphoreType.DMA,
    ],
)
def _sc_aggregate(x0_hbm, x1_hbm, src_hbm, dst_hbm, z_hbm,
                  o0_hbm, o1_hbm,
                  src_v0, dst_v0, src_v1, dst_v1, rows_v0, rows_v1,
                  agg_sh, sem0, sem1):
    c = lax.axis_index("c")
    s = lax.axis_index("s")

    def run(x_ref, out_ref):
        @pl.loop(0, ROWS_PER_SUB // ZROWS)
        def _(k):
            pltpu.sync_copy(z_hbm,
                            agg_sh.at[pl.ds(s * ROWS_PER_SUB + k * ZROWS, ZROWS)])
        plsc.subcore_barrier()

        base = s * EPW

        def load_idx(j, sv, dv):
            off = base + j * CHUNK
            pltpu.sync_copy(src_hbm.at[pl.ds(off, CHUNK)], sv)
            pltpu.sync_copy(dst_hbm.at[pl.ds(off, CHUNK)], dv)

        load_idx(0, src_v0, dst_v0)
        g0 = pltpu.async_copy(x_ref.at[src_v0], rows_v0, sem0)

        @pl.loop(0, NCHUNK - 1, step=2)
        def _(j0):
            load_idx(j0 + 1, src_v1, dst_v1)
            pltpu.async_copy(x_ref.at[src_v1], rows_v1, sem1)
            pltpu.make_async_copy(x_ref.at[src_v0], rows_v0, sem0).wait()
            pltpu.sync_copy(rows_v0, agg_sh.at[dst_v0], add=True)
            load_idx(j0 + 2, src_v0, dst_v0)
            pltpu.async_copy(x_ref.at[src_v0], rows_v0, sem0)
            pltpu.make_async_copy(x_ref.at[src_v1], rows_v1, sem1).wait()
            pltpu.sync_copy(rows_v1, agg_sh.at[dst_v1], add=True)

        g0.wait()
        pltpu.sync_copy(rows_v0, agg_sh.at[dst_v0], add=True)

        plsc.subcore_barrier()
        pltpu.sync_copy(agg_sh.at[pl.ds(s * ROWS_PER_SUB, ROWS_PER_SUB)],
                        out_ref.at[pl.ds(s * ROWS_PER_SUB, ROWS_PER_SUB)])

    @pl.when(c == 0)
    def _():
        run(x0_hbm, o0_hbm)

    @pl.when(c == 1)
    def _():
        run(x1_hbm, o1_hbm)


BLK = 1000


def _mlp_body(x_ref, a0_ref, a1_ref, w1_ref, b1_ref, w2_ref, b2_ref, o_ref):
    h = x_ref[...]
    agg = jnp.concatenate([a0_ref[...], a1_ref[...]], axis=1)
    h = h + agg
    h1 = jnp.maximum(
        lax.dot_general(h, w1_ref[...], (((1,), (0,)), ((), ())),
                        preferred_element_type=jnp.float32,
                        precision=lax.Precision.DEFAULT) + b1_ref[...], 0.0)
    o_ref[...] = lax.dot_general(h1, w2_ref[...], (((1,), (0,)), ((), ())),
                                 preferred_element_type=jnp.float32,
                                 precision=lax.Precision.DEFAULT) + b2_ref[...]


def _mlp(xf, a0, a1, W1, b1, W2, b2):
    grid = (N_NODES // BLK,)
    return pl.pallas_call(
        _mlp_body,
        grid=grid,
        in_specs=[
            pl.BlockSpec((BLK, D), lambda i: (i, 0)),
            pl.BlockSpec((BLK, DH), lambda i: (i, 0)),
            pl.BlockSpec((BLK, DH), lambda i: (i, 0)),
            pl.BlockSpec((D, D), lambda i: (0, 0)),
            pl.BlockSpec((1, D), lambda i: (0, 0)),
            pl.BlockSpec((D, D), lambda i: (0, 0)),
            pl.BlockSpec((1, D), lambda i: (0, 0)),
        ],
        out_specs=pl.BlockSpec((BLK, D), lambda i: (i, 0)),
        out_shape=jax.ShapeDtypeStruct((N_NODES, D), jnp.float32),
    )(xf, a0, a1, W1, b1.reshape(1, D), W2, b2.reshape(1, D))


def kernel(x, edge_index, W1, b1, W2, b2):
    xf = x[0]
    ei = edge_index.astype(jnp.int32)
    src = ei[0]
    dst = ei[1]
    x0 = xf[:, :DH]
    x1 = xf[:, DH:]
    z = jnp.zeros((ZROWS, DH), jnp.float32)
    a0, a1 = _sc_aggregate(x0, x1, src, dst, z)
    out = _mlp(xf, a0, a1, W1, b1, W2, b2)
    return out.reshape(1, N_NODES, D)

# --- scband reference (transcript-rebuilt; emitter-appended) ---
"""Pipeline reference for scband-ginlayer-48756468744913 (READ-ONLY COPY).

The authoritative reference and input builder live on the scoring server;
editing this copy changes nothing except your own understanding.
"""

import jax, jax.numpy as jnp
import numpy as np

N_NODES = 10000
N_EDGES = 160000
D = 256
EPS = 0.0

def setup_inputs(seed: int = 0) -> dict:
    key = jax.random.key(seed)
    k_x, k_e, k_w1, k_b1, k_w2, k_b2 = jax.random.split(key, 6)
    x = jax.random.normal(k_x, (1, N_NODES, D), dtype=jnp.float32)
    edge_index = jax.random.randint(k_e, (2, N_EDGES), 0, N_NODES, dtype=jnp.int64)
    # mlp params: Linear(D,D) -> ReLU -> Linear(D,D), kaiming-ish uniform init like torch
    bound1 = 1.0 / np.sqrt(D)
    W1 = jax.random.uniform(k_w1, (D, D), minval=-bound1, maxval=bound1, dtype=jnp.float32)
    b1 = jax.random.uniform(k_b1, (D,), minval=-bound1, maxval=bound1, dtype=jnp.float32)
    bound2 = 1.0 / np.sqrt(D)
    W2 = jax.random.uniform(k_w2, (D, D), minval=-bound2, maxval=bound2, dtype=jnp.float32)
    b2 = jax.random.uniform(k_b2, (D,), minval=-bound2, maxval=bound2, dtype=jnp.float32)
    return {"x": x, "edge_index": edge_index, "W1": W1, "b1": b1, "W2": W2, "b2": b2}

def reference(x, edge_index, W1, b1, W2, b2):
    # GIN aggregation: for each edge (s, d), agg[:, d] += x[:, s]
    src = edge_index[0]
    dst = edge_index[1]
    gathered = jnp.take(x, src, axis=1)  # [B, E, D]
    agg = jnp.zeros_like(x).at[:, dst, :].add(gathered)
    h = (1.0 + EPS) * x + agg
    h = jnp.maximum(h @ W1 + b1, 0.0)
    out = h @ W2 + b2
    return out

if __name__ == "__main__":
    import jax
    _d = setup_inputs()
    print(jax.jit(kernel)(*tuple(_d.values())))

</pallas_src>

<mosaic_0001>
#map = affine_map<(d0, d1) -> (0, 0)>
#map1 = affine_map<(d0, d1) -> (0)>
module attributes {stable_mosaic.version = 14 : i64} {
  func.func @_sc_aggregate(%arg0: i32, %arg1: i32, %arg2: memref<10000x128xf32, #tpu.memory_space<hbm>>, %arg3: memref<10000x128xf32, #tpu.memory_space<hbm>>, %arg4: memref<160000xi32, #tpu.memory_space<hbm>>, %arg5: memref<160000xi32, #tpu.memory_space<hbm>>, %arg6: memref<128x128xf32, #tpu.memory_space<hbm>>, %arg7: memref<10240x128xf32, #tpu.memory_space<hbm>>, %arg8: memref<10240x128xf32, #tpu.memory_space<hbm>>, %arg9: memref<80xi32, #tpu.memory_space<vmem>>, %arg10: memref<80xi32, #tpu.memory_space<vmem>>, %arg11: memref<80xi32, #tpu.memory_space<vmem>>, %arg12: memref<80xi32, #tpu.memory_space<vmem>>, %arg13: memref<80x128xf32, #tpu.memory_space<vmem>>, %arg14: memref<80x128xf32, #tpu.memory_space<vmem>>, %arg15: memref<10240x128xf32, #tpu.memory_space<vmem_shared>>, %arg16: memref<!tpu.dma_semaphore, #tpu.memory_space<semaphore_mem>>, %arg17: memref<!tpu.dma_semaphore, #tpu.memory_space<semaphore_mem>>) attributes {dimension_semantics = [#tpu.dimension_semantics<core_parallel>, #tpu.dimension_semantics<subcore_parallel>], iteration_bounds = array<i64: 2, 16>, scalar_prefetch = 0 : i64, scratch_operands = 9 : i64, tpu.core_type = #tpu.core_type<sc_vector_subcore>, window_params = [{transform_indices = #map}, {transform_indices = #map}, {transform_indices = #map1}, {transform_indices = #map1}, {transform_indices = #map}, {transform_indices = #map}, {transform_indices = #map}]} {
    %eq3A = arith.constant 0 : i32
    %eq3A_0 = arith.cmpi eq, %arg0, %eq3A : i32
    %convert_element_type3A = arith.extui %eq3A_0 : i1 to i32
    %cond3A = arith.constant 0 : i32
    %cond3A_1 = arith.cmpi ne, %convert_element_type3A, %cond3A : i32
    scf.if %cond3A_1 {
      %scan3A = arith.constant 0 : i32
      %scan3A_7 = arith.constant 5 : i32
      %scan3A_8 = arith.addi %scan3A, %scan3A_7 : i32
      %scan3A_9 = arith.constant 1 : i32
      scf.for %scan3A_27 = %scan3A to %scan3A_8 step %scan3A_9  : i32 {
        %mul3A_28 = arith.constant 1 : i32
        %mul3A_29 = arith.muli %scan3A_27, %mul3A_28 : i32
        %add3A_30 = arith.constant 0 : i32
        %add3A_31 = arith.addi %add3A_30, %mul3A_29 : i32
        %mul3A_32 = arith.constant 640 : i32
        %mul3A_33 = arith.muli %arg1, %mul3A_32 : i32
        %mul3A_34 = arith.constant 128 : i32
        %mul3A_35 = arith.muli %add3A_31, %mul3A_34 : i32
        %add3A_36 = arith.addi %mul3A_33, %mul3A_35 : i32
        "tpu.region"() ({
          %run_scoped3A = tpu.sem_alloc : memref<!tpu.dma_semaphore, #tpu.memory_space<semaphore_mem>>
          %dma_start3A_37 = arith.constant 0 : i32
          %dma_start3A_38 = tpu.memref_slice %arg15[%add3A_36, %dma_start3A_37] : memref<10240x128xf32, #tpu.memory_space<vmem_shared>> -> memref<128x128xf32, #tpu.memory_space<vmem_shared>>
          tpu.enqueue_dma source(%arg6 : memref<128x128xf32, #tpu.memory_space<hbm>>) target(%dma_start3A_38 : memref<128x128xf32, #tpu.memory_space<vmem_shared>>) target_semaphore(%run_scoped3A : memref<!tpu.dma_semaphore, #tpu.memory_space<semaphore_mem>>)
          %dma_wait3A_39 = arith.constant 0 : i32
          %dma_wait3A_40 = tpu.memref_slice %arg15[%add3A_36, %dma_wait3A_39] : memref<10240x128xf32, #tpu.memory_space<vmem_shared>> -> memref<128x128xf32, #tpu.memory_space<vmem_shared>>
          tpu.wait_dma2 semaphore(%run_scoped3A : memref<!tpu.dma_semaphore, #tpu.memory_space<semaphore_mem>>) src(%arg6 : memref<128x128xf32, #tpu.memory_space<hbm>>) dst(%dma_wait3A_40 : memref<128x128xf32, #tpu.memory_space<vmem_shared>>)
          tpu.yield
        }) : () -> ()
      }
      %scan3A_10 = arith.constant 5 : i32
      %barrier3A = arith.constant 0 : index
      tpu.barrier barrier_id(%barrier3A)
      %mul3A = arith.constant 10000 : i32
      %mul3A_11 = arith.muli %arg1, %mul3A : i32
      %add3A = arith.constant 0 : i32
      %add3A_12 = arith.addi %mul3A_11, %add3A : i32
      "tpu.region"() ({
        %run_scoped3A = tpu.sem_alloc : memref<!tpu.dma_semaphore, #tpu.memory_space<semaphore_mem>>
        %dma_start3A_27 = tpu.memref_slice %arg4[%add3A_12] : memref<160000xi32, #tpu.memory_space<hbm>> -> memref<80xi32, #tpu.memory_space<hbm>>
        %dma_start3A_28 = tpu.memref_slice %arg4[%add3A_12] : memref<160000xi32, #tpu.memory_space<hbm>> -> memref<80xi32, #tpu.memory_space<hbm>>
        tpu.enqueue_dma source(%dma_start3A_28 : memref<80xi32, #tpu.memory_space<hbm>>) target(%arg9 : memref<80xi32, #tpu.memory_space<vmem>>) target_semaphore(%run_scoped3A : memref<!tpu.dma_semaphore, #tpu.memory_space<semaphore_mem>>)
        %dma_wait3A_29 = tpu.memref_slice %arg4[%add3A_12] : memref<160000xi32, #tpu.memory_space<hbm>> -> memref<80xi32, #tpu.memory_space<hbm>>
        %dma_wait3A_30 = tpu.memref_slice %arg4[%add3A_12] : memref<160000xi32, #tpu.memory_space<hbm>> -> memref<80xi32, #tpu.memory_space<hbm>>
        tpu.wait_dma2 semaphore(%run_scoped3A : memref<!tpu.dma_semaphore, #tpu.memory_space<semaphore_mem>>) src(%dma_wait3A_30 : memref<80xi32, #tpu.memory_space<hbm>>) dst(%arg9 : memref<80xi32, #tpu.memory_space<vmem>>)
        tpu.yield
      }) : () -> ()
      "tpu.region"() ({
        %run_scoped3A = tpu.sem_alloc : memref<!tpu.dma_semaphore, #tpu.memory_space<semaphore_mem>>
        %dma_start3A_27 = tpu.memref_slice %arg5[%add3A_12] : memref<160000xi32, #tpu.memory_space<hbm>> -> memref<80xi32, #tpu.memory_space<hbm>>
        %dma_start3A_28 = tpu.memref_slice %arg5[%add3A_12] : memref<160000xi32, #tpu.memory_space<hbm>> -> memref<80xi32, #tpu.memory_space<hbm>>
        tpu.enqueue_dma source(%dma_start3A_28 : memref<80xi32, #tpu.memory_space<hbm>>) target(%arg10 : memref<80xi32, #tpu.memory_space<vmem>>) target_semaphore(%run_scoped3A : memref<!tpu.dma_semaphore, #tpu.memory_space<semaphore_mem>>)
        %dma_wait3A_29 = tpu.memref_slice %arg5[%add3A_12] : memref<160000xi32, #tpu.memory_space<hbm>> -> memref<80xi32, #tpu.memory_space<hbm>>
        %dma_wait3A_30 = tpu.memref_slice %arg5[%add3A_12] : memref<160000xi32, #tpu.memory_space<hbm>> -> memref<80xi32, #tpu.memory_space<hbm>>
        tpu.wait_dma2 semaphore(%run_scoped3A : memref<!tpu.dma_semaphore, #tpu.memory_space<semaphore_mem>>) src(%dma_wait3A_30 : memref<80xi32, #tpu.memory_space<hbm>>) dst(%arg10 : memref<80xi32, #tpu.memory_space<vmem>>)
        tpu.yield
      }) : () -> ()
      %dma_start3A = arith.constant 0 : i32
      %dma_start3A_13 = arith.constant 0 : i32
      %dma_start3A_14 = tpu.memref_slice %arg2[%dma_start3A, %dma_start3A_13] : memref<10000x128xf32, #tpu.memory_space<hbm>> -> memref<10000x128xf32, #tpu.memory_space<hbm>>
      tpu.enqueue_indirect_dma source(%dma_start3A_14 : memref<10000x128xf32, #tpu.memory_space<hbm>>) target(%arg13 : memref<80x128xf32, #tpu.memory_space<vmem>>) offsets(%arg9 : memref<80xi32, #tpu.memory_space<vmem>>) semaphore(%arg16 : memref<!tpu.dma_semaphore, #tpu.memory_space<semaphore_mem>>)
      %scan3A_15 = arith.constant 0 : i32
      %scan3A_16 = arith.constant 62 : i32
      %scan3A_17 = arith.addi %scan3A_15, %scan3A_16 : i32
      %scan3A_18 = arith.constant 1 : i32
      scf.for %scan3A_27 = %scan3A_15 to %scan3A_17 step %scan3A_18  : i32 {
        %mul3A_28 = arith.constant 2 : i32
        %mul3A_29 = arith.muli %scan3A_27, %mul3A_28 : i32
        %add3A_30 = arith.constant 0 : i32
        %add3A_31 = arith.addi %add3A_30, %mul3A_29 : i32
        %add3A_32 = arith.constant 1 : i32
        %add3A_33 = arith.addi %add3A_31, %add3A_32 : i32
        %mul3A_34 = arith.constant 80 : i32
        %mul3A_35 = arith.muli %add3A_33, %mul3A_34 : i32
        %add3A_36 = arith.addi %mul3A_11, %mul3A_35 : i32
        "tpu.region"() ({
          %run_scoped3A = tpu.sem_alloc : memref<!tpu.dma_semaphore, #tpu.memory_space<semaphore_mem>>
          %dma_start3A_54 = tpu.memref_slice %arg4[%add3A_36] : memref<160000xi32, #tpu.memory_space<hbm>> -> memref<80xi32, #tpu.memory_space<hbm>>
          %dma_start3A_55 = tpu.memref_slice %arg4[%add3A_36] : memref<160000xi32, #tpu.memory_space<hbm>> -> memref<80xi32, #tpu.memory_space<hbm>>
          tpu.enqueue_dma source(%dma_start3A_55 : memref<80xi32, #tpu.memory_space<hbm>>) target(%arg11 : memref<80xi32, #tpu.memory_space<vmem>>) target_semaphore(%run_scoped3A : memref<!tpu.dma_semaphore, #tpu.memory_space<semaphore_mem>>)
          %dma_wait3A_56 = tpu.memref_slice %arg4[%add3A_36] : memref<160000xi32, #tpu.memory_space<hbm>> -> memref<80xi32, #tpu.memory_space<hbm>>
          %dma_wait3A_57 = tpu.memref_slice %arg4[%add3A_36] : memref<160000xi32, #tpu.memory_space<hbm>> -> memref<80xi32, #tpu.memory_space<hbm>>
          tpu.wait_dma2 semaphore(%run_scoped3A : memref<!tpu.dma_semaphore, #tpu.memory_space<semaphore_mem>>) src(%dma_wait3A_57 : memref<80xi32, #tpu.memory_space<hbm>>) dst(%arg11 : memref<80xi32, #tpu.memory_space<vmem>>)
          tpu.yield
        }) : () -> ()
        "tpu.region"() ({
          %run_scoped3A = tpu.sem_alloc : memref<!tpu.dma_semaphore, #tpu.memory_space<semaphore_mem>>
          %dma_start3A_54 = tpu.memref_slice %arg5[%add3A_36] : memref<160000xi32, #tpu.memory_space<hbm>> -> memref<80xi32, #tpu.memory_space<hbm>>
          %dma_start3A_55 = tpu.memref_slice %arg5[%add3A_36] : memref<160000xi32, #tpu.memory_space<hbm>> -> memref<80xi32, #tpu.memory_space<hbm>>
          tpu.enqueue_dma source(%dma_start3A_55 : memref<80xi32, #tpu.memory_space<hbm>>) target(%arg12 : memref<80xi32, #tpu.memory_space<vmem>>) target_semaphore(%run_scoped3A : memref<!tpu.dma_semaphore, #tpu.memory_space<semaphore_mem>>)
          %dma_wait3A_56 = tpu.memref_slice %arg5[%add3A_36] : memref<160000xi32, #tpu.memory_space<hbm>> -> memref<80xi32, #tpu.memory_space<hbm>>
          %dma_wait3A_57 = tpu.memref_slice %arg5[%add3A_36] : memref<160000xi32, #tpu.memory_space<hbm>> -> memref<80xi32, #tpu.memory_space<hbm>>
          tpu.wait_dma2 semaphore(%run_scoped3A : memref<!tpu.dma_semaphore, #tpu.memory_space<semaphore_mem>>) src(%dma_wait3A_57 : memref<80xi32, #tpu.memory_space<hbm>>) dst(%arg12 : memref<80xi32, #tpu.memory_space<vmem>>)
          tpu.yield
        }) : () -> ()
        %dma_start3A_37 = arith.constant 0 : i32
        %dma_start3A_38 = arith.constant 0 : i32
        %dma_start3A_39 = tpu.memref_slice %arg2[%dma_start3A_37, %dma_start3A_38] : memref<10000x128xf32, #tpu.memory_space<hbm>> -> memref<10000x128xf32, #tpu.memory_space<hbm>>
        tpu.enqueue_indirect_dma source(%dma_start3A_39 : memref<10000x128xf32, #tpu.memory_space<hbm>>) target(%arg14 : memref<80x128xf32, #tpu.memory_space<vmem>>) offsets(%arg11 : memref<80xi32, #tpu.memory_space<vmem>>) semaphore(%arg17 : memref<!tpu.dma_semaphore, #tpu.memory_space<semaphore_mem>>)
        %dma_wait3A_40 = arith.constant 0 : i32
        %dma_wait3A_41 = arith.constant 0 : i32
        %dma_wait3A_42 = tpu.memref_slice %arg2[%dma_wait3A_40, %dma_wait3A_41] : memref<10000x128xf32, #tpu.memory_space<hbm>> -> memref<10000x128xf32, #tpu.memory_space<hbm>>
        tpu.wait_indirect_dma semaphore(%arg16 : memref<!tpu.dma_semaphore, #tpu.memory_space<semaphore_mem>>) src(%dma_wait3A_42 : memref<10000x128xf32, #tpu.memory_space<hbm>>) dst(%arg13 : memref<80x128xf32, #tpu.memory_space<vmem>>)
        "tpu.region"() ({
          %run_scoped3A = tpu.sem_alloc : memref<!tpu.dma_semaphore, #tpu.memory_space<semaphore_mem>>
          %dma_start3A_54 = arith.constant 0 : i32
          %dma_start3A_55 = arith.constant 0 : i32
          %dma_start3A_56 = tpu.memref_slice %arg15[%dma_start3A_54, %dma_start3A_55] : memref<10240x128xf32, #tpu.memory_space<vmem_shared>> -> memref<10240x128xf32, #tpu.memory_space<vmem_shared>>
          tpu.enqueue_indirect_dma source(%arg13 : memref<80x128xf32, #tpu.memory_space<vmem>>) target(%dma_start3A_56 : memref<10240x128xf32, #tpu.memory_space<vmem_shared>>) offsets(%arg10 : memref<80xi32, #tpu.memory_space<vmem>>) semaphore(%run_scoped3A : memref<!tpu.dma_semaphore, #tpu.memory_space<semaphore_mem>>) {add = true}
          %dma_wait3A_57 = arith.constant 0 : i32
          %dma_wait3A_58 = arith.constant 0 : i32
          %dma_wait3A_59 = tpu.memref_slice %arg15[%dma_wait3A_57, %dma_wait3A_58] : memref<10240x128xf32, #tpu.memory_space<vmem_shared>> -> memref<10240x128xf32, #tpu.memory_space<vmem_shared>>
          tpu.wait_indirect_dma semaphore(%run_scoped3A : memref<!tpu.dma_semaphore, #tpu.memory_space<semaphore_mem>>) src(%arg13 : memref<80x128xf32, #tpu.memory_space<vmem>>) dst(%dma_wait3A_59 : memref<10240x128xf32, #tpu.memory_space<vmem_shared>>)
          tpu.yield
        }) : () -> ()
        %add3A_43 = arith.constant 2 : i32
        %add3A_44 = arith.addi %add3A_31, %add3A_43 : i32
        %mul3A_45 = arith.constant 80 : i32
        %mul3A_46 = arith.muli %add3A_44, %mul3A_45 : i32
        %add3A_47 = arith.addi %mul3A_11, %mul3A_46 : i32
        "tpu.region"() ({
          %run_scoped3A = tpu.sem_alloc : memref<!tpu.dma_semaphore, #tpu.memory_space<semaphore_mem>>
          %dma_start3A_54 = tpu.memref_slice %arg4[%add3A_47] : memref<160000xi32, #tpu.memory_space<hbm>> -> memref<80xi32, #tpu.memory_space<hbm>>
          %dma_start3A_55 = tpu.memref_slice %arg4[%add3A_47] : memref<160000xi32, #tpu.memory_space<hbm>> -> memref<80xi32, #tpu.memory_space<hbm>>
          tpu.enqueue_dma source(%dma_start3A_55 : memref<80xi32, #tpu.memory_space<hbm>>) target(%arg9 : memref<80xi32, #tpu.memory_space<vmem>>) target_semaphore(%run_scoped3A : memref<!tpu.dma_semaphore, #tpu.memory_space<semaphore_mem>>)
          %dma_wait3A_56 = tpu.memref_slice %arg4[%add3A_47] : memref<160000xi32, #tpu.memory_space<hbm>> -> memref<80xi32, #tpu.memory_space<hbm>>
          %dma_wait3A_57 = tpu.memref_slice %arg4[%add3A_47] : memref<160000xi32, #tpu.memory_space<hbm>> -> memref<80xi32, #tpu.memory_space<hbm>>
          tpu.wait_dma2 semaphore(%run_scoped3A : memref<!tpu.dma_semaphore, #tpu.memory_space<semaphore_mem>>) src(%dma_wait3A_57 : memref<80xi32, #tpu.memory_space<hbm>>) dst(%arg9 : memref<80xi32, #tpu.memory_space<vmem>>)
          tpu.yield
        }) : () -> ()
        "tpu.region"() ({
          %run_scoped3A = tpu.sem_alloc : memref<!tpu.dma_semaphore, #tpu.memory_space<semaphore_mem>>
          %dma_start3A_54 = tpu.memref_slice %arg5[%add3A_47] : memref<160000xi32, #tpu.memory_space<hbm>> -> memref<80xi32, #tpu.memory_space<hbm>>
          %dma_start3A_55 = tpu.memref_slice %arg5[%add3A_47] : memref<160000xi32, #tpu.memory_space<hbm>> -> memref<80xi32, #tpu.memory_space<hbm>>
          tpu.enqueue_dma source(%dma_start3A_55 : memref<80xi32, #tpu.memory_space<hbm>>) target(%arg10 : memref<80xi32, #tpu.memory_space<vmem>>) target_semaphore(%run_scoped3A : memref<!tpu.dma_semaphore, #tpu.memory_space<semaphore_mem>>)
          %dma_wait3A_56 = tpu.memref_slice %arg5[%add3A_47] : memref<160000xi32, #tpu.memory_space<hbm>> -> memref<80xi32, #tpu.memory_space<hbm>>
          %dma_wait3A_57 = tpu.memref_slice %arg5[%add3A_47] : memref<160000xi32, #tpu.memory_space<hbm>> -> memref<80xi32, #tpu.memory_space<hbm>>
          tpu.wait_dma2 semaphore(%run_scoped3A : memref<!tpu.dma_semaphore, #tpu.memory_space<semaphore_mem>>) src(%dma_wait3A_57 : memref<80xi32, #tpu.memory_space<hbm>>) dst(%arg10 : memref<80xi32, #tpu.memory_space<vmem>>)
          tpu.yield
        }) : () -> ()
        %dma_start3A_48 = arith.constant 0 : i32
        %dma_start3A_49 = arith.constant 0 : i32
        %dma_start3A_50 = tpu.memref_slice %arg2[%dma_start3A_48, %dma_start3A_49] : memref<10000x128xf32, #tpu.memory_space<hbm>> -> memref<10000x128xf32, #tpu.memory_space<hbm>>
        tpu.enqueue_indirect_dma source(%dma_start3A_50 : memref<10000x128xf32, #tpu.memory_space<hbm>>) target(%arg13 : memref<80x128xf32, #tpu.memory_space<vmem>>) offsets(%arg9 : memref<80xi32, #tpu.memory_space<vmem>>) semaphore(%arg16 : memref<!tpu.dma_semaphore, #tpu.memory_space<semaphore_mem>>)
        %dma_wait3A_51 = arith.constant 0 : i32
        %dma_wait3A_52 = arith.constant 0 : i32
        %dma_wait3A_53 = tpu.memref_slice %arg2[%dma_wait3A_51, %dma_wait3A_52] : memref<10000x128xf32, #tpu.memory_space<hbm>> -> memref<10000x128xf32, #tpu.memory_space<hbm>>
        tpu.wait_indirect_dma semaphore(%arg17 : memref<!tpu.dma_semaphore, #tpu.memory_space<semaphore_mem>>) src(%dma_wait3A_53 : memref<10000x128xf32, #tpu.memory_space<hbm>>) dst(%arg14 : memref<80x128xf32, #tpu.memory_space<vmem>>)
        "tpu.region"() ({
          %run_scoped3A = tpu.sem_alloc : memref<!tpu.dma_semaphore, #tpu.memory_space<semaphore_mem>>
          %dma_start3A_54 = arith.constant 0 : i32
          %dma_start3A_55 = arith.constant 0 : i32
          %dma_start3A_56 = tpu.memref_slice %arg15[%dma_start3A_54, %dma_start3A_55] : memref<10240x128xf32, #tpu.memory_space<vmem_shared>> -> memref<10240x128xf32, #tpu.memory_space<vmem_shared>>
          tpu.enqueue_indirect_dma source(%arg14 : memref<80x128xf32, #tpu.memory_space<vmem>>) target(%dma_start3A_56 : memref<10240x128xf32, #tpu.memory_space<vmem_shared>>) offsets(%arg12 : memref<80xi32, #tpu.memory_space<vmem>>) semaphore(%run_scoped3A : memref<!tpu.dma_semaphore, #tpu.memory_space<semaphore_mem>>) {add = true}
          %dma_wait3A_57 = arith.constant 0 : i32
          %dma_wait3A_58 = arith.constant 0 : i32
          %dma_wait3A_59 = tpu.memref_slice %arg15[%dma_wait3A_57, %dma_wait3A_58] : memref<10240x128xf32, #tpu.memory_space<vmem_shared>> -> memref<10240x128xf32, #tpu.memory_space<vmem_shared>>
          tpu.wait_indirect_dma semaphore(%run_scoped3A : memref<!tpu.dma_semaphore, #tpu.memory_space<semaphore_mem>>) src(%arg14 : memref<80x128xf32, #tpu.memory_space<vmem>>) dst(%dma_wait3A_59 : memref<10240x128xf32, #tpu.memory_space<vmem_shared>>)
          tpu.yield
        }) : () -> ()
      }
      %scan3A_19 = arith.constant 62 : i32
      %dma_wait3A = arith.constant 0 : i32
      %dma_wait3A_20 = arith.constant 0 : i32
      %dma_wait3A_21 = tpu.memref_slice %arg2[%dma_wait3A, %dma_wait3A_20] : memref<10000x128xf32, #tpu.memory_space<hbm>> -> memref<10000x128xf32, #tpu.memory_space<hbm>>
      tpu.wait_indirect_dma semaphore(%arg16 : memref<!tpu.dma_semaphore, #tpu.memory_space<semaphore_mem>>) src(%dma_wait3A_21 : memref<10000x128xf32, #tpu.memory_space<hbm>>) dst(%arg13 : memref<80x128xf32, #tpu.memory_space<vmem>>)
      "tpu.region"() ({
        %run_scoped3A = tpu.sem_alloc : memref<!tpu.dma_semaphore, #tpu.memory_space<semaphore_mem>>
        %dma_start3A_27 = arith.constant 0 : i32
        %dma_start3A_28 = arith.constant 0 : i32
        %dma_start3A_29 = tpu.memref_slice %arg15[%dma_start3A_27, %dma_start3A_28] : memref<10240x128xf32, #tpu.memory_space<vmem_shared>> -> memref<10240x128xf32, #tpu.memory_space<vmem_shared>>
        tpu.enqueue_indirect_dma source(%arg13 : memref<80x128xf32, #tpu.memory_space<vmem>>) target(%dma_start3A_29 : memref<10240x128xf32, #tpu.memory_space<vmem_shared>>) offsets(%arg10 : memref<80xi32, #tpu.memory_space<vmem>>) semaphore(%run_scoped3A : memref<!tpu.dma_semaphore, #tpu.memory_space<semaphore_mem>>) {add = true}
        %dma_wait3A_30 = arith.constant 0 : i32
        %dma_wait3A_31 = arith.constant 0 : i32
        %dma_wait3A_32 = tpu.memref_slice %arg15[%dma_wait3A_30, %dma_wait3A_31] : memref<10240x128xf32, #tpu.memory_space<vmem_shared>> -> memref<10240x128xf32, #tpu.memory_space<vmem_shared>>
        tpu.wait_indirect_dma semaphore(%run_scoped3A : memref<!tpu.dma_semaphore, #tpu.memory_space<semaphore_mem>>) src(%arg13 : memref<80x128xf32, #tpu.memory_space<vmem>>) dst(%dma_wait3A_32 : memref<10240x128xf32, #tpu.memory_space<vmem_shared>>)
        tpu.yield
      }) : () -> ()
      %barrier3A_22 = arith.constant 0 : index
      tpu.barrier barrier_id(%barrier3A_22)
      %mul3A_23 = arith.constant 640 : i32
      %mul3A_24 = arith.muli %arg1, %mul3A_23 : i32
      %mul3A_25 = arith.constant 640 : i32
      %mul3A_26 = arith.muli %arg1, %mul3A_25 : i32
      "tpu.region"() ({
        %run_scoped3A = tpu.sem_alloc : memref<!tpu.dma_semaphore, #tpu.memory_space<semaphore_mem>>
        %dma_start3A_27 = arith.constant 0 : i32
        %dma_start3A_28 = tpu.memref_slice %arg7[%mul3A_26, %dma_start3A_27] : memref<10240x128xf32, #tpu.memory_space<hbm>> -> memref<640x128xf32, #tpu.memory_space<hbm>>
        %dma_start3A_29 = arith.constant 0 : i32
        %dma_start3A_30 = tpu.memref_slice %arg15[%mul3A_24, %dma_start3A_29] : memref<10240x128xf32, #tpu.memory_space<vmem_shared>> -> memref<640x128xf32, #tpu.memory_space<vmem_shared>>
        tpu.enqueue_dma source(%dma_start3A_30 : memref<640x128xf32, #tpu.memory_space<vmem_shared>>) target(%dma_start3A_28 : memref<640x128xf32, #tpu.memory_space<hbm>>) target_semaphore(%run_scoped3A : memref<!tpu.dma_semaphore, #tpu.memory_space<semaphore_mem>>)
        %dma_wait3A_31 = arith.constant 0 : i32
        %dma_wait3A_32 = tpu.memref_slice %arg7[%mul3A_26, %dma_wait3A_31] : memref<10240x128xf32, #tpu.memory_space<hbm>> -> memref<640x128xf32, #tpu.memory_space<hbm>>
        %dma_wait3A_33 = arith.constant 0 : i32
        %dma_wait3A_34 = tpu.memref_slice %arg15[%mul3A_24, %dma_wait3A_33] : memref<10240x128xf32, #tpu.memory_space<vmem_shared>> -> memref<640x128xf32, #tpu.memory_space<vmem_shared>>
        tpu.wait_dma2 semaphore(%run_scoped3A : memref<!tpu.dma_semaphore, #tpu.memory_space<semaphore_mem>>) src(%dma_wait3A_34 : memref<640x128xf32, #tpu.memory_space<vmem_shared>>) dst(%dma_wait3A_32 : memref<640x128xf32, #tpu.memory_space<hbm>>)
        tpu.yield
      }) : () -> ()
    } else {
    }
    %eq3A_2 = arith.constant 1 : i32
    %eq3A_3 = arith.cmpi eq, %arg0, %eq3A_2 : i32
    %convert_element_type3A_4 = arith.extui %eq3A_3 : i1 to i32
    %cond3A_5 = arith.constant 0 : i32
    %cond3A_6 = arith.cmpi ne, %convert_element_type3A_4, %cond3A_5 : i32
    scf.if %cond3A_6 {
      %scan3A = arith.constant 0 : i32
      %scan3A_7 = arith.constant 5 : i32
      %scan3A_8 = arith.addi %scan3A, %scan3A_7 : i32
      %scan3A_9 = arith.constant 1 : i32
      scf.for %scan3A_27 = %scan3A to %scan3A_8 step %scan3A_9  : i32 {
        %mul3A_28 = arith.constant 1 : i32
        %mul3A_29 = arith.muli %scan3A_27, %mul3A_28 : i32
        %add3A_30 = arith.constant 0 : i32
        %add3A_31 = arith.addi %add3A_30, %mul3A_29 : i32
        %mul3A_32 = arith.constant 640 : i32
        %mul3A_33 = arith.muli %arg1, %mul3A_32 : i32
        %mul3A_34 = arith.constant 128 : i32
        %mul3A_35 = arith.muli %add3A_31, %mul3A_34 : i32
        %add3A_36 = arith.addi %mul3A_33, %mul3A_35 : i32
        "tpu.region"() ({
          %run_scoped3A = tpu.sem_alloc : memref<!tpu.dma_semaphore, #tpu.memory_space<semaphore_mem>>
          %dma_start3A_37 = arith.constant 0 : i32
          %dma_start3A_38 = tpu.memref_slice %arg15[%add3A_36, %dma_start3A_37] : memref<10240x128xf32, #tpu.memory_space<vmem_shared>> -> memref<128x128xf32, #tpu.memory_space<vmem_shared>>
          tpu.enqueue_dma source(%arg6 : memref<128x128xf32, #tpu.memory_space<hbm>>) target(%dma_start3A_38 : memref<128x128xf32, #tpu.memory_space<vmem_shared>>) target_semaphore(%run_scoped3A : memref<!tpu.dma_semaphore, #tpu.memory_space<semaphore_mem>>)
          %dma_wait3A_39 = arith.constant 0 : i32
          %dma_wait3A_40 = tpu.memref_slice %arg15[%add3A_36, %dma_wait3A_39] : memref<10240x128xf32, #tpu.memory_space<vmem_shared>> -> memref<128x128xf32, #tpu.memory_space<vmem_shared>>
          tpu.wait_dma2 semaphore(%run_scoped3A : memref<!tpu.dma_semaphore, #tpu.memory_space<semaphore_mem>>) src(%arg6 : memref<128x128xf32, #tpu.memory_space<hbm>>) dst(%dma_wait3A_40 : memref<128x128xf32, #tpu.memory_space<vmem_shared>>)
          tpu.yield
        }) : () -> ()
      }
      %scan3A_10 = arith.constant 5 : i32
      %barrier3A = arith.constant 0 : index
      tpu.barrier barrier_id(%barrier3A)
      %mul3A = arith.constant 10000 : i32
      %mul3A_11 = arith.muli %arg1, %mul3A : i32
      %add3A = arith.constant 0 : i32
      %add3A_12 = arith.addi %mul3A_11, %add3A : i32
      "tpu.region"() ({
        %run_scoped3A = tpu.sem_alloc : memref<!tpu.dma_semaphore, #tpu.memory_space<semaphore_mem>>
        %dma_start3A_27 = tpu.memref_slice %arg4[%add3A_12] : memref<160000xi32, #tpu.memory_space<hbm>> -> memref<80xi32, #tpu.memory_space<hbm>>
        %dma_start3A_28 = tpu.memref_slice %arg4[%add3A_12] : memref<160000xi32, #tpu.memory_space<hbm>> -> memref<80xi32, #tpu.memory_space<hbm>>
        tpu.enqueue_dma source(%dma_start3A_28 : memref<80xi32, #tpu.memory_space<hbm>>) target(%arg9 : memref<80xi32, #tpu.memory_space<vmem>>) target_semaphore(%run_scoped3A : memref<!tpu.dma_semaphore, #tpu.memory_space<semaphore_mem>>)
        %dma_wait3A_29 = tpu.memref_slice %arg4[%add3A_12] : memref<160000xi32, #tpu.memory_space<hbm>> -> memref<80xi32, #tpu.memory_space<hbm>>
        %dma_wait3A_30 = tpu.memref_slice %arg4[%add3A_12] : memref<160000xi32, #tpu.memory_space<hbm>> -> memref<80xi32, #tpu.memory_space<hbm>>
        tpu.wait_dma2 semaphore(%run_scoped3A : memref<!tpu.dma_semaphore, #tpu.memory_space<semaphore_mem>>) src(%dma_wait3A_30 : memref<80xi32, #tpu.memory_space<hbm>>) dst(%arg9 : memref<80xi32, #tpu.memory_space<vmem>>)
        tpu.yield
      }) : () -> ()
      "tpu.region"() ({
        %run_scoped3A = tpu.sem_alloc : memref<!tpu.dma_semaphore, #tpu.memory_space<semaphore_mem>>
        %dma_start3A_27 = tpu.memref_slice %arg5[%add3A_12] : memref<160000xi32, #tpu.memory_space<hbm>> -> memref<80xi32, #tpu.memory_space<hbm>>
        %dma_start3A_28 = tpu.memref_slice %arg5[%add3A_12] : memref<160000xi32, #tpu.memory_space<hbm>> -> memref<80xi32, #tpu.memory_space<hbm>>
        tpu.enqueue_dma source(%dma_start3A_28 : memref<80xi32, #tpu.memory_space<hbm>>) target(%arg10 : memref<80xi32, #tpu.memory_space<vmem>>) target_semaphore(%run_scoped3A : memref<!tpu.dma_semaphore, #tpu.memory_space<semaphore_mem>>)
        %dma_wait3A_29 = tpu.memref_slice %arg5[%add3A_12] : memref<160000xi32, #tpu.memory_space<hbm>> -> memref<80xi32, #tpu.memory_space<hbm>>
        %dma_wait3A_30 = tpu.memref_slice %arg5[%add3A_12] : memref<160000xi32, #tpu.memory_space<hbm>> -> memref<80xi32, #tpu.memory_space<hbm>>
        tpu.wait_dma2 semaphore(%run_scoped3A : memref<!tpu.dma_semaphore, #tpu.memory_space<semaphore_mem>>) src(%dma_wait3A_30 : memref<80xi32, #tpu.memory_space<hbm>>) dst(%arg10 : memref<80xi32, #tpu.memory_space<vmem>>)
        tpu.yield
      }) : () -> ()
      %dma_start3A = arith.constant 0 : i32
      %dma_start3A_13 = arith.constant 0 : i32
      %dma_start3A_14 = tpu.memref_slice %arg3[%dma_start3A, %dma_start3A_13] : memref<10000x128xf32, #tpu.memory_space<hbm>> -> memref<10000x128xf32, #tpu.memory_space<hbm>>
      tpu.enqueue_indirect_dma source(%dma_start3A_14 : memref<10000x128xf32, #tpu.memory_space<hbm>>) target(%arg13 : memref<80x128xf32, #tpu.memory_space<vmem>>) offsets(%arg9 : memref<80xi32, #tpu.memory_space<vmem>>) semaphore(%arg16 : memref<!tpu.dma_semaphore, #tpu.memory_space<semaphore_mem>>)
      %scan3A_15 = arith.constant 0 : i32
      %scan3A_16 = arith.constant 62 : i32
      %scan3A_17 = arith.addi %scan3A_15, %scan3A_16 : i32
      %scan3A_18 = arith.constant 1 : i32
      scf.for %scan3A_27 = %scan3A_15 to %scan3A_17 step %scan3A_18  : i32 {
        %mul3A_28 = arith.constant 2 : i32
        %mul3A_29 = arith.muli %scan3A_27, %mul3A_28 : i32
        %add3A_30 = arith.constant 0 : i32
        %add3A_31 = arith.addi %add3A_30, %mul3A_29 : i32
        %add3A_32 = arith.constant 1 : i32
        %add3A_33 = arith.addi %add3A_31, %add3A_32 : i32
        %mul3A_34 = arith.constant 80 : i32
        %mul3A_35 = arith.muli %add3A_33, %mul3A_34 : i32
        %add3A_36 = arith.addi %mul3A_11, %mul3A_35 : i32
        "tpu.region"() ({
          %run_scoped3A = tpu.sem_alloc : memref<!tpu.dma_semaphore, #tpu.memory_space<semaphore_mem>>
          %dma_start3A_54 = tpu.memref_slice %arg4[%add3A_36] : memref<160000xi32, #tpu.memory_space<hbm>> -> memref<80xi32, #tpu.memory_space<hbm>>
          %dma_start3A_55 = tpu.memref_slice %arg4[%add3A_36] : memref<160000xi32, #tpu.memory_space<hbm>> -> memref<80xi32, #tpu.memory_space<hbm>>
          tpu.enqueue_dma source(%dma_start3A_55 : memref<80xi32, #tpu.memory_space<hbm>>) target(%arg11 : memref<80xi32, #tpu.memory_space<vmem>>) target_semaphore(%run_scoped3A : memref<!tpu.dma_semaphore, #tpu.memory_space<semaphore_mem>>)
          %dma_wait3A_56 = tpu.memref_slice %arg4[%add3A_36] : memref<160000xi32, #tpu.memory_space<hbm>> -> memref<80xi32, #tpu.memory_space<hbm>>
          %dma_wait3A_57 = tpu.memref_slice %arg4[%add3A_36] : memref<160000xi32, #tpu.memory_space<hbm>> -> memref<80xi32, #tpu.memory_space<hbm>>
          tpu.wait_dma2 semaphore(%run_scoped3A : memref<!tpu.dma_semaphore, #tpu.memory_space<semaphore_mem>>) src(%dma_wait3A_57 : memref<80xi32, #tpu.memory_space<hbm>>) dst(%arg11 : memref<80xi32, #tpu.memory_space<vmem>>)
          tpu.yield
        }) : () -> ()
        "tpu.region"() ({
          %run_scoped3A = tpu.sem_alloc : memref<!tpu.dma_semaphore, #tpu.memory_space<semaphore_mem>>
          %dma_start3A_54 = tpu.memref_slice %arg5[%add3A_36] : memref<160000xi32, #tpu.memory_space<hbm>> -> memref<80xi32, #tpu.memory_space<hbm>>
          %dma_start3A_55 = tpu.memref_slice %arg5[%add3A_36] : memref<160000xi32, #tpu.memory_space<hbm>> -> memref<80xi32, #tpu.memory_space<hbm>>
          tpu.enqueue_dma source(%dma_start3A_55 : memref<80xi32, #tpu.memory_space<hbm>>) target(%arg12 : memref<80xi32, #tpu.memory_space<vmem>>) target_semaphore(%run_scoped3A : memref<!tpu.dma_semaphore, #tpu.memory_space<semaphore_mem>>)
          %dma_wait3A_56 = tpu.memref_slice %arg5[%add3A_36] : memref<160000xi32, #tpu.memory_space<hbm>> -> memref<80xi32, #tpu.memory_space<hbm>>
          %dma_wait3A_57 = tpu.memref_slice %arg5[%add3A_36] : memref<160000xi32, #tpu.memory_space<hbm>> -> memref<80xi32, #tpu.memory_space<hbm>>
          tpu.wait_dma2 semaphore(%run_scoped3A : memref<!tpu.dma_semaphore, #tpu.memory_space<semaphore_mem>>) src(%dma_wait3A_57 : memref<80xi32, #tpu.memory_space<hbm>>) dst(%arg12 : memref<80xi32, #tpu.memory_space<vmem>>)
          tpu.yield
        }) : () -> ()
        %dma_start3A_37 = arith.constant 0 : i32
        %dma_start3A_38 = arith.constant 0 : i32
        %dma_start3A_39 = tpu.memref_slice %arg3[%dma_start3A_37, %dma_start3A_38] : memref<10000x128xf32, #tpu.memory_space<hbm>> -> memref<10000x128xf32, #tpu.memory_space<hbm>>
        tpu.enqueue_indirect_dma source(%dma_start3A_39 : memref<10000x128xf32, #tpu.memory_space<hbm>>) target(%arg14 : memref<80x128xf32, #tpu.memory_space<vmem>>) offsets(%arg11 : memref<80xi32, #tpu.memory_space<vmem>>) semaphore(%arg17 : memref<!tpu.dma_semaphore, #tpu.memory_space<semaphore_mem>>)
        %dma_wait3A_40 = arith.constant 0 : i32
        %dma_wait3A_41 = arith.constant 0 : i32
        %dma_wait3A_42 = tpu.memref_slice %arg3[%dma_wait3A_40, %dma_wait3A_41] : memref<10000x128xf32, #tpu.memory_space<hbm>> -> memref<10000x128xf32, #tpu.memory_space<hbm>>
        tpu.wait_indirect_dma semaphore(%arg16 : memref<!tpu.dma_semaphore, #tpu.memory_space<semaphore_mem>>) src(%dma_wait3A_42 : memref<10000x128xf32, #tpu.memory_space<hbm>>) dst(%arg13 : memref<80x128xf32, #tpu.memory_space<vmem>>)
        "tpu.region"() ({
          %run_scoped3A = tpu.sem_alloc : memref<!tpu.dma_semaphore, #tpu.memory_space<semaphore_mem>>
          %dma_start3A_54 = arith.constant 0 : i32
          %dma_start3A_55 = arith.constant 0 : i32
          %dma_start3A_56 = tpu.memref_slice %arg15[%dma_start3A_54, %dma_start3A_55] : memref<10240x128xf32, #tpu.memory_space<vmem_shared>> -> memref<10240x128xf32, #tpu.memory_space<vmem_shared>>
          tpu.enqueue_indirect_dma source(%arg13 : memref<80x128xf32, #tpu.memory_space<vmem>>) target(%dma_start3A_56 : memref<10240x128xf32, #tpu.memory_space<vmem_shared>>) offsets(%arg10 : memref<80xi32, #tpu.memory_space<vmem>>) semaphore(%run_scoped3A : memref<!tpu.dma_semaphore, #tpu.memory_space<semaphore_mem>>) {add = true}
          %dma_wait3A_57 = arith.constant 0 : i32
          %dma_wait3A_58 = arith.constant 0 : i32
          %dma_wait3A_59 = tpu.memref_slice %arg15[%dma_wait3A_57, %dma_wait3A_58] : memref<10240x128xf32, #tpu.memory_space<vmem_shared>> -> memref<10240x128xf32, #tpu.memory_space<vmem_shared>>
          tpu.wait_indirect_dma semaphore(%run_scoped3A : memref<!tpu.dma_semaphore, #tpu.memory_space<semaphore_mem>>) src(%arg13 : memref<80x128xf32, #tpu.memory_space<vmem>>) dst(%dma_wait3A_59 : memref<10240x128xf32, #tpu.memory_space<vmem_shared>>)
          tpu.yield
        }) : () -> ()
        %add3A_43 = arith.constant 2 : i32
        %add3A_44 = arith.addi %add3A_31, %add3A_43 : i32
        %mul3A_45 = arith.constant 80 : i32
        %mul3A_46 = arith.muli %add3A_44, %mul3A_45 : i32
        %add3A_47 = arith.addi %mul3A_11, %mul3A_46 : i32
        "tpu.region"() ({
          %run_scoped3A = tpu.sem_alloc : memref<!tpu.dma_semaphore, #tpu.memory_space<semaphore_mem>>
          %dma_start3A_54 = tpu.memref_slice %arg4[%add3A_47] : memref<160000xi32, #tpu.memory_space<hbm>> -> memref<80xi32, #tpu.memory_space<hbm>>
          %dma_start3A_55 = tpu.memref_slice %arg4[%add3A_47] : memref<160000xi32, #tpu.memory_space<hbm>> -> memref<80xi32, #tpu.memory_space<hbm>>
          tpu.enqueue_dma source(%dma_start3A_55 : memref<80xi32, #tpu.memory_space<hbm>>) target(%arg9 : memref<80xi32, #tpu.memory_space<vmem>>) target_semaphore(%run_scoped3A : memref<!tpu.dma_semaphore, #tpu.memory_space<semaphore_mem>>)
          %dma_wait3A_56 = tpu.memref_slice %arg4[%add3A_47] : memref<160000xi32, #tpu.memory_space<hbm>> -> memref<80xi32, #tpu.memory_space<hbm>>
          %dma_wait3A_57 = tpu.memref_slice %arg4[%add3A_47] : memref<160000xi32, #tpu.memory_space<hbm>> -> memref<80xi32, #tpu.memory_space<hbm>>
          tpu.wait_dma2 semaphore(%run_scoped3A : memref<!tpu.dma_semaphore, #tpu.memory_space<semaphore_mem>>) src(%dma_wait3A_57 : memref<80xi32, #tpu.memory_space<hbm>>) dst(%arg9 : memref<80xi32, #tpu.memory_space<vmem>>)
          tpu.yield
        }) : () -> ()
        "tpu.region"() ({
          %run_scoped3A = tpu.sem_alloc : memref<!tpu.dma_semaphore, #tpu.memory_space<semaphore_mem>>
          %dma_start3A_54 = tpu.memref_slice %arg5[%add3A_47] : memref<160000xi32, #tpu.memory_space<hbm>> -> memref<80xi32, #tpu.memory_space<hbm>>
          %dma_start3A_55 = tpu.memref_slice %arg5[%add3A_47] : memref<160000xi32, #tpu.memory_space<hbm>> -> memref<80xi32, #tpu.memory_space<hbm>>
          tpu.enqueue_dma source(%dma_start3A_55 : memref<80xi32, #tpu.memory_space<hbm>>) target(%arg10 : memref<80xi32, #tpu.memory_space<vmem>>) target_semaphore(%run_scoped3A : memref<!tpu.dma_semaphore, #tpu.memory_space<semaphore_mem>>)
          %dma_wait3A_56 = tpu.memref_slice %arg5[%add3A_47] : memref<160000xi32, #tpu.memory_space<hbm>> -> memref<80xi32, #tpu.memory_space<hbm>>
          %dma_wait3A_57 = tpu.memref_slice %arg5[%add3A_47] : memref<160000xi32, #tpu.memory_space<hbm>> -> memref<80xi32, #tpu.memory_space<hbm>>
          tpu.wait_dma2 semaphore(%run_scoped3A : memref<!tpu.dma_semaphore, #tpu.memory_space<semaphore_mem>>) src(%dma_wait3A_57 : memref<80xi32, #tpu.memory_space<hbm>>) dst(%arg10 : memref<80xi32, #tpu.memory_space<vmem>>)
          tpu.yield
        }) : () -> ()
        %dma_start3A_48 = arith.constant 0 : i32
        %dma_start3A_49 = arith.constant 0 : i32
        %dma_start3A_50 = tpu.memref_slice %arg3[%dma_start3A_48, %dma_start3A_49] : memref<10000x128xf32, #tpu.memory_space<hbm>> -> memref<10000x128xf32, #tpu.memory_space<hbm>>
        tpu.enqueue_indirect_dma source(%dma_start3A_50 : memref<10000x128xf32, #tpu.memory_space<hbm>>) target(%arg13 : memref<80x128xf32, #tpu.memory_space<vmem>>) offsets(%arg9 : memref<80xi32, #tpu.memory_space<vmem>>) semaphore(%arg16 : memref<!tpu.dma_semaphore, #tpu.memory_space<semaphore_mem>>)
        %dma_wait3A_51 = arith.constant 0 : i32
        %dma_wait3A_52 = arith.constant 0 : i32
        %dma_wait3A_53 = tpu.memref_slice %arg3[%dma_wait3A_51, %dma_wait3A_52] : memref<10000x128xf32, #tpu.memory_space<hbm>> -> memref<10000x128xf32, #tpu.memory_space<hbm>>
        tpu.wait_indirect_dma semaphore(%arg17 : memref<!tpu.dma_semaphore, #tpu.memory_space<semaphore_mem>>) src(%dma_wait3A_53 : memref<10000x128xf32, #tpu.memory_space<hbm>>) dst(%arg14 : memref<80x128xf32, #tpu.memory_space<vmem>>)
        "tpu.region"() ({
          %run_scoped3A = tpu.sem_alloc : memref<!tpu.dma_semaphore, #tpu.memory_space<semaphore_mem>>
          %dma_start3A_54 = arith.constant 0 : i32
          %dma_start3A_55 = arith.constant 0 : i32
          %dma_start3A_56 = tpu.memref_slice %arg15[%dma_start3A_54, %dma_start3A_55] : memref<10240x128xf32, #tpu.memory_space<vmem_shared>> -> memref<10240x128xf32, #tpu.memory_space<vmem_shared>>
          tpu.enqueue_indirect_dma source(%arg14 : memref<80x128xf32, #tpu.memory_space<vmem>>) target(%dma_start3A_56 : memref<10240x128xf32, #tpu.memory_space<vmem_shared>>) offsets(%arg12 : memref<80xi32, #tpu.memory_space<vmem>>) semaphore(%run_scoped3A : memref<!tpu.dma_semaphore, #tpu.memory_space<semaphore_mem>>) {add = true}
          %dma_wait3A_57 = arith.constant 0 : i32
          %dma_wait3A_58 = arith.constant 0 : i32
          %dma_wait3A_59 = tpu.memref_slice %arg15[%dma_wait3A_57, %dma_wait3A_58] : memref<10240x128xf32, #tpu.memory_space<vmem_shared>> -> memref<10240x128xf32, #tpu.memory_space<vmem_shared>>
          tpu.wait_indirect_dma semaphore(%run_scoped3A : memref<!tpu.dma_semaphore, #tpu.memory_space<semaphore_mem>>) src(%arg14 : memref<80x128xf32, #tpu.memory_space<vmem>>) dst(%dma_wait3A_59 : memref<10240x128xf32, #tpu.memory_space<vmem_shared>>)
          tpu.yield
        }) : () -> ()
      }
      %scan3A_19 = arith.constant 62 : i32
      %dma_wait3A = arith.constant 0 : i32
      %dma_wait3A_20 = arith.constant 0 : i32
      %dma_wait3A_21 = tpu.memref_slice %arg3[%dma_wait3A, %dma_wait3A_20] : memref<10000x128xf32, #tpu.memory_space<hbm>> -> memref<10000x128xf32, #tpu.memory_space<hbm>>
      tpu.wait_indirect_dma semaphore(%arg16 : memref<!tpu.dma_semaphore, #tpu.memory_space<semaphore_mem>>) src(%dma_wait3A_21 : memref<10000x128xf32, #tpu.memory_space<hbm>>) dst(%arg13 : memref<80x128xf32, #tpu.memory_space<vmem>>)
      "tpu.region"() ({
        %run_scoped3A = tpu.sem_alloc : memref<!tpu.dma_semaphore, #tpu.memory_space<semaphore_mem>>
        %dma_start3A_27 = arith.constant 0 : i32
        %dma_start3A_28 = arith.constant 0 : i32
        %dma_start3A_29 = tpu.memref_slice %arg15[%dma_start3A_27, %dma_start3A_28] : memref<10240x128xf32, #tpu.memory_space<vmem_shared>> -> memref<10240x128xf32, #tpu.memory_space<vmem_shared>>
        tpu.enqueue_indirect_dma source(%arg13 : memref<80x128xf32, #tpu.memory_space<vmem>>) target(%dma_start3A_29 : memref<10240x128xf32, #tpu.memory_space<vmem_shared>>) offsets(%arg10 : memref<80xi32, #tpu.memory_space<vmem>>) semaphore(%run_scoped3A : memref<!tpu.dma_semaphore, #tpu.memory_space<semaphore_mem>>) {add = true}
        %dma_wait3A_30 = arith.constant 0 : i32
        %dma_wait3A_31 = arith.constant 0 : i32
        %dma_wait3A_32 = tpu.memref_slice %arg15[%dma_wait3A_30, %dma_wait3A_31] : memref<10240x128xf32, #tpu.memory_space<vmem_shared>> -> memref<10240x128xf32, #tpu.memory_space<vmem_shared>>
        tpu.wait_indirect_dma semaphore(%run_scoped3A : memref<!tpu.dma_semaphore, #tpu.memory_space<semaphore_mem>>) src(%arg13 : memref<80x128xf32, #tpu.memory_space<vmem>>) dst(%dma_wait3A_32 : memref<10240x128xf32, #tpu.memory_space<vmem_shared>>)
        tpu.yield
      }) : () -> ()
      %barrier3A_22 = arith.constant 0 : index
      tpu.barrier barrier_id(%barrier3A_22)
      %mul3A_23 = arith.constant 640 : i32
      %mul3A_24 = arith.muli %arg1, %mul3A_23 : i32
      %mul3A_25 = arith.constant 640 : i32
      %mul3A_26 = arith.muli %arg1, %mul3A_25 : i32
      "tpu.region"() ({
        %run_scoped3A = tpu.sem_alloc : memref<!tpu.dma_semaphore, #tpu.memory_space<semaphore_mem>>
        %dma_start3A_27 = arith.constant 0 : i32
        %dma_start3A_28 = tpu.memref_slice %arg8[%mul3A_26, %dma_start3A_27] : memref<10240x128xf32, #tpu.memory_space<hbm>> -> memref<640x128xf32, #tpu.memory_space<hbm>>
        %dma_start3A_29 = arith.constant 0 : i32
        %dma_start3A_30 = tpu.memref_slice %arg15[%mul3A_24, %dma_start3A_29] : memref<10240x128xf32, #tpu.memory_space<vmem_shared>> -> memref<640x128xf32, #tpu.memory_space<vmem_shared>>
        tpu.enqueue_dma source(%dma_start3A_30 : memref<640x128xf32, #tpu.memory_space<vmem_shared>>) target(%dma_start3A_28 : memref<640x128xf32, #tpu.memory_space<hbm>>) target_semaphore(%run_scoped3A : memref<!tpu.dma_semaphore, #tpu.memory_space<semaphore_mem>>)
        %dma_wait3A_31 = arith.constant 0 : i32
        %dma_wait3A_32 = tpu.memref_slice %arg8[%mul3A_26, %dma_wait3A_31] : memref<10240x128xf32, #tpu.memory_space<hbm>> -> memref<640x128xf32, #tpu.memory_space<hbm>>
        %dma_wait3A_33 = arith.constant 0 : i32
        %dma_wait3A_34 = tpu.memref_slice %arg15[%mul3A_24, %dma_wait3A_33] : memref<10240x128xf32, #tpu.memory_space<vmem_shared>> -> memref<640x128xf32, #tpu.memory_space<vmem_shared>>
        tpu.wait_dma2 semaphore(%run_scoped3A : memref<!tpu.dma_semaphore, #tpu.memory_space<semaphore_mem>>) src(%dma_wait3A_34 : memref<640x128xf32, #tpu.memory_space<vmem_shared>>) dst(%dma_wait3A_32 : memref<640x128xf32, #tpu.memory_space<hbm>>)
        tpu.yield
      }) : () -> ()
    } else {
    }
    return
  }
}

module attributes {stable_mosaic.version = 14 : i64} {
  func.func @_mlp_body(%arg0: i32, %arg1: memref<1000x256xf32, #tpu.memory_space<vmem>>, %arg2: memref<1000x128xf32, #tpu.memory_space<vmem>>, %arg3: memref<1000x128xf32, #tpu.memory_space<vmem>>, %arg4: memref<256x256xf32, #tpu.memory_space<vmem>>, %arg5: memref<1x256xf32, #tpu.memory_space<vmem>>, %arg6: memref<256x256xf32, #tpu.memory_space<vmem>>, %arg7: memref<1x256xf32, #tpu.memory_space<vmem>>, %arg8: memref<1000x256xf32, #tpu.memory_space<vmem>>) attributes {dimension_semantics = [#tpu.dimension_semantics<arbitrary>], iteration_bounds = array<i64: 10>, scalar_prefetch = 0 : i64, scratch_operands = 0 : i64, tpu.core_type = #tpu.core_type<tc>, window_params = [{transform_indices = @transform_0, window_bounds = array<i64: 1000, 256>}, {transform_indices = @transform_1, window_bounds = array<i64: 1000, 128>}, {transform_indices = @transform_2, window_bounds = array<i64: 1000, 128>}, {pipeline_mode = #tpu.pipeline_mode<synchronous>, transform_indices = @transform_3, window_bounds = array<i64: 256, 256>}, {pipeline_mode = #tpu.pipeline_mode<synchronous>, transform_indices = @transform_4, window_bounds = array<i64: 1, 256>}, {pipeline_mode = #tpu.pipeline_mode<synchronous>, transform_indices = @transform_5, window_bounds = array<i64: 256, 256>}, {pipeline_mode = #tpu.pipeline_mode<synchronous>, transform_indices = @transform_6, window_bounds = array<i64: 1, 256>}, {transform_indices = @transform_7, window_bounds = array<i64: 1000, 256>}]} {
    %get3A = arith.constant 0 : index
    %get3A_0 = arith.constant 0 : index
    %get3A_1 = vector.load %arg1[%get3A, %get3A_0] : memref<1000x256xf32, #tpu.memory_space<vmem>>, vector<1000x256xf32>
    %get3A_2 = arith.constant 0 : index
    %get3A_3 = arith.constant 0 : index
    %get3A_4 = vector.load %arg2[%get3A_2, %get3A_3] : memref<1000x128xf32, #tpu.memory_space<vmem>>, vector<1000x128xf32>
    %get3A_5 = arith.constant 0 : index
    %get3A_6 = arith.constant 0 : index
    %get3A_7 = vector.load %arg3[%get3A_5, %get3A_6] : memref<1000x128xf32, #tpu.memory_space<vmem>>, vector<1000x128xf32>
    %concatenate3A = tpu.concatenate %get3A_4, %get3A_7 in 1 : vector<1000x128xf32>, vector<1000x128xf32> -> vector<1000x256xf32>
    %add3A = arith.addf %get3A_1, %concatenate3A : vector<1000x256xf32>
    %get3A_8 = arith.constant 0 : index
    %get3A_9 = arith.constant 0 : index
    %get3A_10 = vector.load %arg4[%get3A_8, %get3A_9] : memref<256x256xf32, #tpu.memory_space<vmem>>, vector<256x256xf32>
    %dot_general3A = arith.constant dense<0.000000e+00> : vector<1000x256xf32>
    %dot_general3A_11 = tpu.matmul %add3A, %get3A_10, %dot_general3A {dimension_numbers = #tpu.dot_dimension_numbers<[1], [0], [0], [1], [0, 0, 1, 1], [], []>, transpose_lhs_hint = false} : vector<1000x256xf32>, vector<256x256xf32>, vector<1000x256xf32> -> vector<1000x256xf32>
    %get3A_12 = arith.constant 0 : index
    %get3A_13 = arith.constant 0 : index
    %get3A_14 = vector.load %arg5[%get3A_12, %get3A_13] : memref<1x256xf32, #tpu.memory_space<vmem>>, vector<1x256xf32>
    %add3A_15 = vector.broadcast %get3A_14 : vector<1x256xf32> to vector<1000x256xf32>
    %add3A_16 = arith.addf %dot_general3A_11, %add3A_15 : vector<1000x256xf32>
    %max3A = arith.constant 0.000000e+00 : f32
    %max3A_17 = vector.broadcast %max3A : f32 to vector<1000x256xf32>
    %max3A_18 = arith.maximumf %add3A_16, %max3A_17 : vector<1000x256xf32>
    %get3A_19 = arith.constant 0 : index
    %get3A_20 = arith.constant 0 : index
    %get3A_21 = vector.load %arg6[%get3A_19, %get3A_20] : memref<256x256xf32, #tpu.memory_space<vmem>>, vector<256x256xf32>
    %dot_general3A_22 = arith.constant dense<0.000000e+00> : vector<1000x256xf32>
    %dot_general3A_23 = tpu.matmul %max3A_18, %get3A_21, %dot_general3A_22 {dimension_numbers = #tpu.dot_dimension_numbers<[1], [0], [0], [1], [0, 0, 1, 1], [], []>, transpose_lhs_hint = false} : vector<1000x256xf32>, vector<256x256xf32>, vector<1000x256xf32> -> vector<1000x256xf32>
    %get3A_24 = arith.constant 0 : index
    %get3A_25 = arith.constant 0 : index
    %get3A_26 = vector.load %arg7[%get3A_24, %get3A_25] : memref<1x256xf32, #tpu.memory_space<vmem>>, vector<1x256xf32>
    %add3A_27 = vector.broadcast %get3A_26 : vector<1x256xf32> to vector<1000x256xf32>
    %add3A_28 = arith.addf %dot_general3A_23, %add3A_27 : vector<1000x256xf32>
    %swap3A = arith.constant 0 : index
    %swap3A_29 = arith.constant 0 : index
    %swap3A_30 = vector.load %arg8[%swap3A, %swap3A_29] : memref<1000x256xf32, #tpu.memory_space<vmem>>, vector<1000x256xf32>
    tpu.vector_store %arg8[%swap3A, %swap3A_29], %add3A_28 {strides = array<i32>} : memref<1000x256xf32, #tpu.memory_space<vmem>>, vector<1000x256xf32>,
    return
  }
  func.func @transform_0(%arg0: i32) -> (i32, i32) {
    %c0_i32 = arith.constant 0 : i32
    %c0_i32_0 = arith.constant 0 : i32
    return %arg0, %c0_i32 : i32, i32
  }
  func.func @transform_1(%arg0: i32) -> (i32, i32) {
    %c0_i32 = arith.constant 0 : i32
    %c0_i32_0 = arith.constant 0 : i32
    return %arg0, %c0_i32 : i32, i32
  }
  func.func @transform_2(%arg0: i32) -> (i32, i32) {
    %c0_i32 = arith.constant 0 : i32
    %c0_i32_0 = arith.constant 0 : i32
    return %arg0, %c0_i32 : i32, i32
  }
  func.func @transform_3(%arg0: i32) -> (i32, i32) {
    %c0_i32 = arith.constant 0 : i32
    %c0_i32_0 = arith.constant 0 : i32
    %c0_i32_1 = arith.constant 0 : i32
    return %c0_i32, %c0_i32_0 : i32, i32
  }
  func.func @transform_4(%arg0: i32) -> (i32, i32) {
    %c0_i32 = arith.constant 0 : i32
    %c0_i32_0 = arith.constant 0 : i32
    %c0_i32_1 = arith.constant 0 : i32
    return %c0_i32, %c0_i32_0 : i32, i32
  }
  func.func @transform_5(%arg0: i32) -> (i32, i32) {
    %c0_i32 = arith.constant 0 : i32
    %c0_i32_0 = arith.constant 0 : i32
    %c0_i32_1 = arith.constant 0 : i32
    return %c0_i32, %c0_i32_0 : i32, i32
  }
  func.func @transform_6(%arg0: i32) -> (i32, i32) {
    %c0_i32 = arith.constant 0 : i32
    %c0_i32_0 = arith.constant 0 : i32
    %c0_i32_1 = arith.constant 0 : i32
    return %c0_i32, %c0_i32_0 : i32, i32
  }
  func.func @transform_7(%arg0: i32) -> (i32, i32) {
    %c0_i32 = arith.constant 0 : i32
    %c0_i32_0 = arith.constant 0 : i32
    return %arg0, %c0_i32 : i32, i32
  }
}

</mosaic_0001>

<sc_bundles>
// kernel: kernel.4.cloned.1.call-start
scs
__scs_entry_jumppad:
0x0: {  	(pc) =	sbr.rel $0x88, $3  }
0x1: {  	(tag) =	ssettag $0x0;
	lr =	simm.s32 $0x1  }
0x2: {  	[smem:$0x3F9B] =	sst lr;
	_ =	strace $0xD0000000  }
0x3: {  	_ = 	snop  }
0x4: {  	_ = 	snop  }
0x5: {  	_ = 	snop  }
0x6: {  	_ = 	snop  }
0x7: {  	_ = 	snop  }
__scs_overlays_trampoline_lowered:
0x8: {  	[smem:$0x3FAA] =	sst s0  }
0x9: {  	[smem:$0x3FAB] =	sst s1  }
0xa: {  	[smem:$0x3FAC] =	sst s2  }
0xb: {  	[smem:$0x3FAD] =	sst s3  }
0xc: {  	[smem:$0x3FAE] =	sst s4  }
0xd: {  	[smem:$0x3FAF] =	sst s5  }
0xe: {  	[smem:$0x3FB0] =	sst s6  }
0xf: {  	[smem:$0x3FB1] =	sst s7  }
0x10: {  	[smem:$0x3FB2] =	sst s8  }
0x11: {  	[smem:$0x3FB3] =	sst s9;
	s0 =	simm.s32 @!p0 $0x0  }
0x12: {  	s1 =	sld [smem:$0x3F99];
	s0 =	simm.s32 @p0 $0x1  }
0x13: {  	[smem:$0x3FB4] =	sst s0;
	s0 =	simm.s32 @!p1 $0x0  }
0x14: {  	s2 =	sld [smem:$0x3F98];
	s0 =	simm.s32 @p1 $0x1  }
0x15: {  	[smem:$0x3FB5] =	sst s0;
	s0 =	simm.s32 @!p2 $0x0  }
0x16: {  	s3 =	sld [smem:$0x3FDB];
	s0 =	simm.s32 @p2 $0x1  }
0x17: {  	s4 =	simm.s32 $0x1BF5;
	[smem:$0x3FB7] =	sst s0  }
0x18: {  	s0 =	sld [smem:$0x3F9A];
	_ =	swait.ge [sflag:s4], $0x0  }
0x19: {  	s7 =	sld [smem:$0x3F9B]  }
0x1a: {  	s8 =	sadd.s32 $0xFFFFE003, lr  }
0x1b: {  	s9 =	sadd.s32 $0xFFFFFEF7, lr;
	s5 =	simm.s32 $0xFFFFFFFF;
	p2 =	slt.u32 s8, $0xFFFFF086  }
0x1c: {  	p1 =	slt.u32 s9, $0xF7A;
	s5 =	simm.s32 @!p2 $0x0  }
0x1d: {  	s5 =	simm.s32 @p1 $0x1;
	p0 =	seq.s32 s7, s2  }
0x1e: {  	s7 =	smul.u32 @!p0 $0xF7A, s2;
	p2 =	seq.s32 @!p0 s5, $0x0  }
0x1f: {  	s9 =	smul.u32 $0xF7A, s1;
	s8 =	simm.s32 @!p0 $0x1BF5;
	p2 =	por !p2, p0  }
0x20: {  	[sflag:s8] =	ssyncset.s32 @!p0 $0xFFFFF086;
	s6 =	sadd.s32 @!p0 s3, s7;
	s7 =	simm.s32 @!p0 $0x108  }
0x21: {  	s3 =	sadd.s32 s3, s9;
	s6 =	sadd.s32 @!p0 $0x88, s6;
	s7 =	simm.s32 @p2 $0x1082  }
0x22: {  	[simem:s7], [sflag:s8] =	dma.local @!p0 [hbm:s6], $0xF7A  }
0x23: {  	s9 =	sor.u32 $0xD0000000, s2;
	s6 =	simm.s32 $0x108;
	_ =	swait.ge @!p0 [sflag:s8], $0x0  }
0x24: {  	s3 =	sadd.s32 $0x88, s3;
	s6 =	simm.s32 @!p1 $0x1082;
	[sflag:s4] =	ssyncset.s32 $0xFFFFF086  }
0x25: {  	[simem:s6], [sflag:s4] =	dma.local [hbm:s3], $0xF7A  }
0x26: {  	[smem:$0x3F9B] =	sst s1;
	(tag) =	ssettag s2;
	_ =	strace s9  }
0x27: {  	s1 =	sld [smem:$0x3FAB]  }
0x28: {  	s2 =	sld [smem:$0x3FAC]  }
0x29: {  	s4 =	sld [smem:$0x3FAE]  }
0x2a: {  	p0 =	seq.s32 s5, $0x0;
	s5 =	sld [smem:$0x3FAF]  }
0x2b: {  	s6 =	sld [smem:$0x3FB0]  }
0x2c: {  	s7 =	sld [smem:$0x3FB1]  }
0x2d: {  	s3 =	simm.s32 $0x108;
	s8 =	sld [smem:$0x3FB2]  }
0x2e: {  	s3 =	simm.s32 @!p0 $0x1082;
	s9 =	sld [smem:$0x3FB3]  }
0x2f: {  	lr =	sadd.s32 s0, s3;
	s0 =	sld [smem:$0x3FAA]  }
0x30: {  	s3 =	sld [smem:$0x3FAD]  }
0x31: {  	[smem:$0x3FB6] =	sst s10  }
0x32: {  	s10 =	sld [smem:$0x3FB4];
	_ =	sdelay $0x3  }
0x33: {  	p0 =	seq.s32 s10, $0x1;
	s10 =	sld [smem:$0x3FB6];
	_ =	sdelay $0x3  }
0x34: {  	[smem:$0x3FB6] =	sst s10  }
0x35: {  	s10 =	sld [smem:$0x3FB5];
	_ =	sdelay $0x3  }
0x36: {  	p1 =	seq.s32 s10, $0x1;
	s10 =	sld [smem:$0x3FB6];
	_ =	sdelay $0x3  }
0x37: {  	[smem:$0x3FB6] =	sst s10  }
0x38: {  	s10 =	sld [smem:$0x3FB7]  }
0x39: {  	_ = 	snop;
	(pc) =	sbr.ind lr, $3  }
0x3a: {  	_ = 	snop  }
0x3b: {  	_ = 	snop  }
0x3c: {  	p2 =	seq.s32 s10, $0x1;
	s10 =	sld [smem:$0x3FB6]  }
0x3d: {  	_ =	shalt  }
0x3e: {  	_ =	shalt  }
0x3f: {  	_ =	shalt  }
0x40: {  	_ =	shalt  }
0x41: {  	_ =	shalt  }
0x42: {  	_ =	shalt  }
0x43: {  	_ =	shalt  }
0x44: {  	_ =	shalt  }
0x45: {  	_ =	shalt  }
0x46: {  	_ =	shalt  }
0x47: {  	_ =	shalt  }
0x48: {  	_ =	shalt  }
0x49: {  	_ =	shalt  }
0x4a: {  	_ =	shalt  }
0x4b: {  	_ =	shalt  }
0x4c: {  	_ =	shalt  }
0x4d: {  	_ =	shalt  }
0x4e: {  	_ =	shalt  }
0x4f: {  	_ =	shalt  }
0x50: {  	_ =	shalt  }
0x51: {  	_ =	shalt  }
0x52: {  	_ =	shalt  }
0x53: {  	_ =	shalt  }
0x54: {  	_ =	shalt  }
0x55: {  	_ =	shalt  }
0x56: {  	_ =	shalt  }
0x57: {  	_ =	shalt  }
0x58: {  	_ =	shalt  }
0x59: {  	_ =	shalt  }
0x5a: {  	_ =	shalt  }
0x5b: {  	_ =	shalt  }
0x5c: {  	_ =	shalt  }
0x5d: {  	_ =	shalt  }
0x5e: {  	_ =	shalt  }
0x5f: {  	_ =	shalt  }
0x60: {  	_ =	shalt  }
0x61: {  	_ =	shalt  }
0x62: {  	_ =	shalt  }
0x63: {  	_ =	shalt  }
0x64: {  	_ =	shalt  }
0x65: {  	_ =	shalt  }
0x66: {  	_ =	shalt  }
0x67: {  	_ =	shalt  }
0x68: {  	_ =	shalt  }
0x69: {  	_ =	shalt  }
0x6a: {  	_ =	shalt  }
0x6b: {  	_ =	shalt  }
0x6c: {  	_ =	shalt  }
0x6d: {  	_ =	shalt  }
0x6e: {  	_ =	shalt  }
0x6f: {  	_ =	shalt  }
0x70: {  	_ =	shalt  }
0x71: {  	_ =	shalt  }
0x72: {  	_ =	shalt  }
0x73: {  	_ =	shalt  }
0x74: {  	_ =	shalt  }
0x75: {  	_ =	shalt  }
0x76: {  	_ =	shalt  }
0x77: {  	_ =	shalt  }
0x78: {  	_ =	shalt  }
0x79: {  	_ =	shalt  }
0x7a: {  	_ =	shalt  }
0x7b: {  	_ =	shalt  }
0x7c: {  	_ =	shalt  }
0x7d: {  	_ =	shalt  }
0x7e: {  	_ =	shalt  }
0x7f: {  	_ =	shalt  }
0x80: {  	_ =	shalt  }
0x81: {  	_ =	shalt  }
0x82: {  	_ =	shalt  }
0x83: {  	_ =	shalt  }
0x84: {  	_ =	shalt  }
0x85: {  	_ =	shalt  }
0x86: {  	_ =	shalt  }
0x87: {  	_ =	shalt  }
.Lfunc_end0:
.L_simem_size_0:
called_computation_lowered:
.L_overlay_start_0:
0x88: {  	s2 =	sld [smem:$0x3FD9]  }
0x89: {  	s3 =	sld [smem:$0x3FFE];
	_ =	sdelay $0x1  }
0x8a: {  	s1 =	srdreg.scid  }
0x8b: {  	s0 =	sand.u32 $0x1, s1  }
0x8c: {  	s17 =	sshll.u32 s0, $0xA;
	s2 =	sadd.s32 s3, s2  }
0x8d: {  	s2 =	sadd.s32 s2, s17  }
0x8e: {  	[smem:$0x3FC2] =	sst s2  }
0x8f: {  	_ = 	snop  }
0x90: {  	s2 =	sld [smem:$0x3FD0];
	(tm) =	ssettm $0x1  }
0x91: {  	s18 =	sld [smem:$0x3FFB];
	_ =	sdelay $0x3  }
0x92: {  	_ =	strace s18  }
0x93: {  	s3 =	sld [smem:$0x3FFC];
	_ =	sdelay $0x3  }
0x94: {  	_ =	strace s3  }
0x95: {  	s3 =	sld [smem:$0x3FFD];
	_ =	sdelay $0x3  }
0x96: {  	_ =	strace s3  }
0x97: {  	_ =	strace $0x8FFFFFFF  }
0x98: {  	s19 =	sld [smem:$0x3FDB];
	_ =	sdelay $0x1  }
0x99: {  	s4 =	simm.s32 $_scs_section_size  }
0x9a: {  	s5 =	simm.s32 $_size__tile_overlayer_lowered;
	s6 =	simm.s32 $_tile_overlayer_lowered  }
0x9b: {  	s22 =	simm.s32 $0x1BFF;
	s21 =	sshll.u32 s6, $0x1;
	s3 =	sadd.s32 s4, s19  }
0x9c: {  	s7 =	simm.s32 $0x0;
	s20 =	sshll.u32 s5, $0x1;
	s5 =	sadd.s32 s21, s3  }
0x9d: {  	[timem:s7], [sflag:s22] =	dma.local [hbm:s5], s20  }
0x9e: {  	_ =	swait.ge [sflag:s22], s20  }
0x9f: {  	s4 =	ssub.s32 $0x0, s20;
	[sflag:s22] =	ssyncset.done $0x0  }
0xa0: {  	[sflag:s22] =	ssyncadd.s32 s4;
	_ =	sdelay $0x1  }
0xa1: {  	s23 =	simm.s32 $0x1B8B  }
0xa2: {  	_ =	swait.ge [sflag:s23], $0x1  }
0xa3: {  	[sflag:s23] =	ssyncset.done $0x0  }
0xa4: {  	s25 =	simm.s32 $0x1B8E;
	s24 =	sld [smem:$0x3FFE];
	[sflag:s23] =	ssyncadd.s32 $0xFFFFFFFF  }
0xa5: {  	s26 =	simm.s32 $execute0_lowered;
	[smem:$0x3FD2] =	sst s25  }
0xa6: {  	s5 =	sshll.u32 s26, $0x1;
	_ =	strace $0x80000046;
	[dreg:$0x1] =	wrdreg $0xFFFFFFFF  }
0xa7: {  	s28 =	simm.s32 $_size_execute0_lowered;
	s3 =	sadd.s32 s3, s5;
	[dreg:$0x0] =	wrdreg $0x0  }
0xa8: {  	s5 =	sshll.u32 s28, $0x1;
	[dreg:$0x2] =	wrdreg s3  }
0xa9: {  	[dreg:$0x3] =	wrdreg s5  }
0xaa: {  	[dreg:$0x4] =	wrdreg $0xC0  }
0xab: {  	_ =	task [dreg:s7], $0x5FFFF  }
0xac: {  	[dreg:$0x1] =	wrdreg $0xFFFFFFFF  }
0xad: {  	[dreg:$0x0] =	wrdreg $0x60  }
0xae: {  	[dreg:$0x2] =	wrdreg s24  }
0xaf: {  	[dreg:$0x3] =	wrdreg s2  }
0xb0: {  	[dreg:$0x4] =	wrdreg $0x52000  }
0xb1: {  	[dreg:$0x5] =	wrdreg $0x9  }
0xb2: {  	_ =	task.clear_ibuf [dreg:s7], $0x6FFFF;
	_ =	strace $0x90000046  }
0xb3: {  	s29 =	simm.s32 $0x9;
	_ =	strace $0x80000048  }
0xb4: {  	_ =	swait.ge [sflag:s29], $0x1  }
0xb5: {  	[sflag:s29] =	ssyncadd.s32 $0xFFFFFFFF  }
0xb6: {  	_ =	strace $0x90000048  }
0xb7: {  	_ =	sfence  }
0xb8: {  	s30 =	sld [smem:$0x0];
	_ =	sdelay $0x2  }
0xb9: {  	s31 =	sshll.u32 s1, $0xD;
	s1 =	sshrl.u32 s1, $0x2  }
0xba: {  	s3 =	sand.u32 $0x4000, s31;
	s1 =	sadd.s32 s1, s30  }
0xbb: {  	s0 =	sor.u32 s3, s0;
	s1 =	sshll.u32 s1, $0x11  }
0xbc: {  	s0 =	sor.u32 s1, s0  }
0xbd: {  	s0 =	sadd.s32 $0x8F2B, s0  }
0xbe: {  	[sflag:s0] =	ssyncadd.remote.s32 $0x1  }
0xbf: {  	_ =	sfence.sel $0xFFFF  }
0xc0: {  	[dreg:$0x0] =	wrdreg $0xFFFFFFFF;
	(pc) =	sbr.abs _section_cstart, $3  }
0xc1: {  	[dreg:$0x1] =	wrdreg $0xFFFFFFFF  }
0xc2: {  	_ =	task.clear_ibuf [dreg:s7], $0x2FFFF;
	_ =	strace $0x9FFFFFFF  }
0xc3: {  	(tm) =	ssettm $0x7FFFFFFF  }
tec
execute0_lowered:
.L_overlay_start_1:
0x0: {  	(tag) =	ssettag $0x1  }
0x1: {  	s0 =	rddreg [dreg:$0x0]  }
0x2: {  	s2 =	rddreg [dreg:$0x2];
	s3 =	simm.s32 $0x0;
	s1 =	srdreg.scid  }
0x3: {  	s16 =	stileid.u32;
	s20 =	simm.s32 $0x3;
	s28 =	simm.s32 $0x2A00  }
0x4: {  	s29 =	simm.s32 $0x1;
	s30 =	simm.s32 $0x2;
	s31 =	simm.s32 $0x0  }
0x5: {  	[smem:$0x7FF] =	sst s3;
	s5 =	sadd.s32 $0x32C00, s0;
	s8 =	smul.u32 $0x50000, s16  }
0x6: {  	s6 =	sadd.s32 $0xBA00, s0;
	s4 =	sadd.s32 $0x6A00, s0;
	s10 =	smul.u32 $0x2710, s16  }
0x7: {  	s1 =	sand.u32 $0x1, s1;
	s17 =	sadd.s32 $0x1A00, s0;
	s11 =	smul.u32 $0x2800, s16  }
0x8: {  	s7 =	sadd.s32 $0x59E00, s0;
	s0 =	sadd.s32 $0x5A600, s0;
	s26 =	smul.u32 $0x4E2, s16  }
0x9: {  	s16 =	sshll.u32 s16, $0x6;
	_ =	strace $0x80000047;
	s9 =	ssub.s32 $0x2, s1  }
0xa: {  	[dreg:$0x4] =	wrdreg s0;
	p0 =	seq.s32 s1, $0x1;
	s16 =	sor.u32 $0x1C03, s16  }
0xb: {  	s21 =	sshrl.u32 s9, $0x1;
	s8 =	sshrl.u32 s8, $0x2;
	s10 =	sshrl.u32 s10, $0x3  }
0xc: {  	s18 =	sadd.s32 s26, s4;
	s0 =	ssub.s32 s9, s21;
	s22 =	sadd.s32 s8, s2  }
0xd: {  	s23 =	sadd.s32 s4, s10;
	s24 =	sadd.s32 s17, s10;
	s17 =	sadd.s32 s26, s17  }
.Ltmp0:
0xe: {  	s26 =	simm.s32 $0x180;
	[dreg:$0x5] =	wrdreg s23;
	(pc) =	sbr.rel .LBB2_1-.Ltmp0, $4  }
0xf: {  	[dreg:$0x6] =	wrdreg s24;
	s12 =	smax.u32 s0, $0x1;
	s25 =	sadd.s32 $0x4000, s22  }
0x10: {  	s13 =	sadd.s32 $0x8000, s22;
	s14 =	sadd.s32 $0xC000, s22;
	s15 =	sadd.s32 $0x10000, s22  }
0x11: {  	s19 =	sshrl.u32 s22, $0x3;
	s22 =	simm.s32 $0x80;
	s23 =	simm.s32 $0x50  }
0x12: {  	s24 =	simm.s32 $0x200;
	s21 =	sshrl.u32 s25, $0x3;
	s25 =	simm.s32 $0x100  }
.LBB2_7:
0x13: {  	s4 =	sadd.s32 $0x4E2, s1;
	[sflag:s20] =	ssyncadd.s32 $0xFFFFD800  }
0x14: {  	[tilespmem:s25], [sflag:$0x3] =	stream.linear.gather [hbm4b:s4+s3], $0x50, $0x38;
	[tilespmem:$0x19200] =	vst v63  }
0x15: {  	_ =	swait.ge [sflag:s20], $0x50  }
0x16: {  	s0 =	sadd.s32 s0, s17;
	[sflag:s20] =	ssyncset.done $0x0  }
0x17: {  	s9 =	sadd.s32 $0x4E2, s0;
	[sflag:s20] =	ssyncadd.s32 $0xFFFFFFB0  }
0x18: {  	[tilespmem:s26], [sflag:$0x3] =	stream.linear.gather [hbm4b:s9+s3], $0x50, $0x38;
	[tilespmem:$0x19200] =	vst v63  }
0x19: {  	_ =	swait.ge [sflag:s20], $0x50  }
0x1a: {  	[sflag:s20] =	ssyncset.done $0x0  }
0x1b: {  	[sflag:s20] =	ssyncadd.s32 $0xFFFFFFB0  }
0x1c: {  	[tilespmem:s28], [sflag:$0x2] =	stream.indirect.gather [hbm4b:s6+s23], $0x80, s25, s23, $0xb8;
	[tilespmem:$0x19200] =	vst v63  }
0x1d: {  	_ =	swait.ge [sflag:s29], $0x2800  }
0x1e: {  	[sflag:s29] =	ssyncset.done $0x0  }
0x1f: {  	[sflag:s29] =	ssyncadd.s32 $0xFFFFD800  }
0x20: {  	[spmem:s2] =	stream.indirect.scatter.add.f32 [tilespmem:s24], [sflag:$0x3], $0x80, s22, s23, $0xb8;
	[tilespmem:$0x19200] =	vst v63  }
0x21: {  	_ =	swait.ge [sflag:s20], $0x2800  }
0x22: {  	[sflag:s20] =	ssyncset.done $0x0  }
0x23: {  	s10 =	sadd.s32 $0x4EC, s1;
	[sflag:s20] =	ssyncadd.s32 $0xFFFFD800  }
0x24: {  	[tilespmem:s3], [sflag:$0x3] =	stream.linear.gather [hbm4b:s10+s3], $0x50, $0x38;
	[tilespmem:$0x19200] =	vst v63  }
0x25: {  	_ =	swait.ge [sflag:s20], $0x50  }
0x26: {  	[sflag:s20] =	ssyncset.done $0x0  }
0x27: {  	s0 =	sadd.s32 $0x4EC, s0;
	[sflag:s20] =	ssyncadd.s32 $0xFFFFFFB0  }
0x28: {  	[tilespmem:s22], [sflag:$0x3] =	stream.linear.gather [hbm4b:s0+s3], $0x50, $0x38;
	[tilespmem:$0x19200] =	vst v63  }
0x29: {  	_ =	swait.ge [sflag:s20], $0x50  }
0x2a: {  	[sflag:s20] =	ssyncset.done $0x0  }
0x2b: {  	[sflag:s20] =	ssyncadd.s32 $0xFFFFFFB0  }
0x2c: {  	[tilespmem:s24], [sflag:$0x1] =	stream.indirect.gather [hbm4b:s6+s23], $0x80, s3, s23, $0xb8;
	[tilespmem:$0x19200] =	vst v63  }
0x2d: {  	_ =	swait.ge [sflag:s30], $0x2800  }
0x2e: {  	[sflag:s30] =	ssyncset.done $0x0  }
0x2f: {  	[sflag:s30] =	ssyncadd.s32 $0xFFFFD800  }
0x30: {  	[spmem:s2] =	stream.indirect.scatter.add.f32 [tilespmem:s28], [sflag:$0x3], $0x80, s26, s23, $0xb8;
	[tilespmem:$0x19200] =	vst v63  }
0x31: {  	_ =	swait.ge [sflag:s20], $0x2800  }
0x32: {  	[sflag:s20] =	ssyncset.done $0x0  }
0x33: {  	s0 =	rddreg [dreg:$0x4];
	[sflag:s20] =	ssyncadd.s32 $0xFFFFD800  }
.LBB2_8:
0x34: {  	_ =	swait.ge [sflag:s29], $0x2800  }
0x35: {  	[sflag:s29] =	ssyncset.done $0x0  }
0x36: {  	[sflag:s29] =	ssyncadd.s32 $0xFFFFD800  }
0x37: {  	[spmem:s2] =	stream.indirect.scatter.add.f32 [tilespmem:s24], [sflag:$0x3], $0x80, s22, s23, $0xb8;
	[tilespmem:$0x19200] =	vst v63  }
0x38: {  	_ =	swait.ge [sflag:s20], $0x2800  }
0x39: {  	s31 =	sadd.s32 $0x1, s31;
	[sflag:s20] =	ssyncset.done $0x0  }
0x3a: {  	p1 =	sne.s32 s31, s12;
	[sflag:s20] =	ssyncadd.s32 $0xFFFFD800  }
.Ltmp1:
0x3b: {  	s0 =	sadd.s32 s0, s11;
	[bflag:$0x0] =	sbarrier.arrive $0xFFFF;
	(pc) =	sbr.rel @!p1 .LBB2_9-.Ltmp1, $4  }
0x3c: {  	[hbm:s0], [sflag:s16] =	dma.local [spmem:s19], $0x2800  }
0x3d: {  	_ =	swait.ge [sflag:s20], $0x2800  }
0x3e: {  	[sflag:s20] =	ssyncset.done $0x0  }
0x3f: {  	[sflag:s20] =	ssyncadd.s32 $0xFFFFD800  }
.LBB2_1:
.Ltmp2:
0x40: {  	(pc) =	sbr.rel @!p0 .LBB2_2-.Ltmp2, $4  }
0x41: {  	[spmem:s19], [sflag:s16] =	dma.local [hbm:s7], $0x800  }
0x42: {  	_ =	swait.ge [sflag:s20], $0x800  }
0x43: {  	[sflag:s20] =	ssyncset.done $0x0  }
0x44: {  	[sflag:s20] =	ssyncadd.s32 $0xFFFFF800  }
0x45: {  	[spmem:s21], [sflag:s16] =	dma.local [hbm:s7], $0x800  }
0x46: {  	_ =	swait.ge [sflag:s20], $0x800  }
0x47: {  	[sflag:s20] =	ssyncset.done $0x0  }
0x48: {  	s0 =	sshrl.u32 s13, $0x3;
	[sflag:s20] =	ssyncadd.s32 $0xFFFFF800  }
0x49: {  	[spmem:s0], [sflag:s16] =	dma.local [hbm:s7], $0x800  }
0x4a: {  	_ =	swait.ge [sflag:s20], $0x800  }
0x4b: {  	[sflag:s20] =	ssyncset.done $0x0  }
0x4c: {  	s9 =	sshrl.u32 s14, $0x3;
	[sflag:s20] =	ssyncadd.s32 $0xFFFFF800  }
0x4d: {  	[spmem:s9], [sflag:s16] =	dma.local [hbm:s7], $0x800  }
0x4e: {  	_ =	swait.ge [sflag:s20], $0x800  }
0x4f: {  	[sflag:s20] =	ssyncset.done $0x0  }
0x50: {  	s10 =	sshrl.u32 s15, $0x3;
	[sflag:s20] =	ssyncadd.s32 $0xFFFFF800  }
0x51: {  	[spmem:s10], [sflag:s16] =	dma.local [hbm:s7], $0x800  }
0x52: {  	_ =	swait.ge [sflag:s20], $0x800  }
0x53: {  	[sflag:s20] =	ssyncset.done $0x0  }
0x54: {  	[sflag:s20] =	ssyncadd.s32 $0xFFFFF800  }
0x55: {  	[bflag:$0x0] =	sbarrier.arrive $0xFFFF  }
0x56: {  	s1 =	rddreg [dreg:$0x5]  }
0x57: {  	[tilespmem:s3], [sflag:$0x3] =	stream.linear.gather [hbm4b:s1+s3], $0x50, $0x38;
	[tilespmem:$0x19200] =	vst v63  }
0x58: {  	_ =	swait.ge [sflag:s20], $0x50  }
0x59: {  	[sflag:s20] =	ssyncset.done $0x0  }
0x5a: {  	s4 =	rddreg [dreg:$0x6];
	[sflag:s20] =	ssyncadd.s32 $0xFFFFFFB0  }
0x5b: {  	[tilespmem:s22], [sflag:$0x3] =	stream.linear.gather [hbm4b:s4+s3], $0x50, $0x38;
	[tilespmem:$0x19200] =	vst v63  }
0x5c: {  	_ =	swait.ge [sflag:s20], $0x50  }
0x5d: {  	[sflag:s20] =	ssyncset.done $0x0  }
0x5e: {  	s8 =	sadd.s32 $0xFFFFFB28, s18;
	[sflag:s20] =	ssyncadd.s32 $0xFFFFFFB0  }
0x5f: {  	[tilespmem:s24], [sflag:$0x1] =	stream.indirect.gather [hbm4b:s6+s23], $0x80, s3, s23, $0xb8;
	[tilespmem:$0x19200] =	vst v63  }
0x60: {  	s1 =	sadd.s32 $0x4E2, s8  }
0x61: {  	[tilespmem:s25], [sflag:$0x3] =	stream.linear.gather [hbm4b:s1+s3], $0x50, $0x38;
	[tilespmem:$0x19200] =	vst v63  }
0x62: {  	_ =	swait.ge [sflag:s20], $0x50  }
0x63: {  	s9 =	sadd.s32 $0xFFFFFB28, s17;
	[sflag:s20] =	ssyncset.done $0x0  }
0x64: {  	s4 =	sadd.s32 $0x4E2, s9;
	[sflag:s20] =	ssyncadd.s32 $0xFFFFFFB0  }
0x65: {  	[tilespmem:s26], [sflag:$0x3] =	stream.linear.gather [hbm4b:s4+s3], $0x50, $0x38;
	[tilespmem:$0x19200] =	vst v63  }
0x66: {  	_ =	swait.ge [sflag:s20], $0x50  }
0x67: {  	[sflag:s20] =	ssyncset.done $0x0  }
0x68: {  	[sflag:s20] =	ssyncadd.s32 $0xFFFFFFB0  }
0x69: {  	[tilespmem:s28], [sflag:$0x2] =	stream.indirect.gather [hbm4b:s6+s23], $0x80, s25, s23, $0xb8;
	[tilespmem:$0x19200] =	vst v63  }
0x6a: {  	_ =	swait.ge [sflag:s29], $0x2800  }
0x6b: {  	[sflag:s29] =	ssyncset.done $0x0  }
0x6c: {  	[sflag:s29] =	ssyncadd.s32 $0xFFFFD800  }
0x6d: {  	[spmem:s2] =	stream.indirect.scatter.add.f32 [tilespmem:s24], [sflag:$0x3], $0x80, s22, s23, $0xb8;
	[tilespmem:$0x19200] =	vst v63  }
0x6e: {  	_ =	swait.ge [sflag:s20], $0x2800  }
0x6f: {  	[sflag:s20] =	ssyncset.done $0x0  }
0x70: {  	s0 =	sadd.s32 $0x4EC, s8;
	[sflag:s20] =	ssyncadd.s32 $0xFFFFD800  }
0x71: {  	[tilespmem:s3], [sflag:$0x3] =	stream.linear.gather [hbm4b:s0+s3], $0x50, $0x38;
	[tilespmem:$0x19200] =	vst v63  }
0x72: {  	_ =	swait.ge [sflag:s20], $0x50  }
0x73: {  	[sflag:s20] =	ssyncset.done $0x0  }
0x74: {  	s10 =	sadd.s32 $0x4EC, s9;
	[sflag:s20] =	ssyncadd.s32 $0xFFFFFFB0  }
0x75: {  	[tilespmem:s22], [sflag:$0x3] =	stream.linear.gather [hbm4b:s10+s3], $0x50, $0x38;
	[tilespmem:$0x19200] =	vst v63  }
0x76: {  	_ =	swait.ge [sflag:s20], $0x50  }
0x77: {  	[sflag:s20] =	ssyncset.done $0x0  }
0x78: {  	[sflag:s20] =	ssyncadd.s32 $0xFFFFFFB0  }
0x79: {  	[tilespmem:s24], [sflag:$0x1] =	stream.indirect.gather [hbm4b:s6+s23], $0x80, s3, s23, $0xb8;
	[tilespmem:$0x19200] =	vst v63  }
0x7a: {  	_ =	swait.ge [sflag:s30], $0x2800  }
0x7b: {  	[sflag:s30] =	ssyncset.done $0x0  }
0x7c: {  	[sflag:s30] =	ssyncadd.s32 $0xFFFFD800  }
0x7d: {  	[spmem:s2] =	stream.indirect.scatter.add.f32 [tilespmem:s28], [sflag:$0x3], $0x80, s26, s23, $0xb8;
	[tilespmem:$0x19200] =	vst v63  }
0x7e: {  	s8 =	simm.s32 $0xFFFFFB50;
	_ =	swait.ge [sflag:s20], $0x2800  }
0x7f: {  	s1 =	sadd.s32 $0xFFFFFB3C, s18;
	s0 =	simm.s32 $0xFFFFFB3C;
	[sflag:s20] =	ssyncset.done $0x0  }
.LBB2_6:
0x80: {  	s9 =	sadd.s32 $0x4E2, s1  }
0x81: {  	[sflag:s20] =	ssyncadd.s32 $0xFFFFD800;
	s10 =	smov.u32 s8;
	s4 =	sadd.s32 $0x14, s8  }
0x82: {  	[tilespmem:s25], [sflag:$0x3] =	stream.linear.gather [hbm4b:s9+s3], $0x50, $0x38;
	[tilespmem:$0x19200] =	vst v63  }
0x83: {  	p1 =	sne.s32 s8, $0xFFFFFFEC;
	_ =	swait.ge [sflag:s20], $0x50  }
0x84: {  	s8 =	sadd.s32 s0, s17;
	s0 =	smov.u32 s10;
	[sflag:s20] =	ssyncset.done $0x0  }
0x85: {  	s9 =	sadd.s32 $0x4E2, s8;
	[sflag:s20] =	ssyncadd.s32 $0xFFFFFFB0  }
0x86: {  	[tilespmem:s26], [sflag:$0x3] =	stream.linear.gather [hbm4b:s9+s3], $0x50, $0x38;
	[tilespmem:$0x19200] =	vst v63  }
0x87: {  	_ =	swait.ge [sflag:s20], $0x50  }
0x88: {  	[sflag:s20] =	ssyncset.done $0x0  }
0x89: {  	[sflag:s20] =	ssyncadd.s32 $0xFFFFFFB0  }
0x8a: {  	[tilespmem:s28], [sflag:$0x2] =	stream.indirect.gather [hbm4b:s6+s23], $0x80, s25, s23, $0xb8;
	[tilespmem:$0x19200] =	vst v63  }
0x8b: {  	_ =	swait.ge [sflag:s29], $0x2800  }
0x8c: {  	[sflag:s29] =	ssyncset.done $0x0  }
0x8d: {  	[sflag:s29] =	ssyncadd.s32 $0xFFFFD800  }
0x8e: {  	[spmem:s2] =	stream.indirect.scatter.add.f32 [tilespmem:s24], [sflag:$0x3], $0x80, s22, s23, $0xb8;
	[tilespmem:$0x19200] =	vst v63  }
0x8f: {  	_ =	swait.ge [sflag:s20], $0x2800  }
0x90: {  	[sflag:s20] =	ssyncset.done $0x0  }
0x91: {  	s1 =	sadd.s32 $0x4EC, s1;
	[sflag:s20] =	ssyncadd.s32 $0xFFFFD800  }
0x92: {  	[tilespmem:s3], [sflag:$0x3] =	stream.linear.gather [hbm4b:s1+s3], $0x50, $0x38;
	[tilespmem:$0x19200] =	vst v63  }
0x93: {  	_ =	swait.ge [sflag:s20], $0x50  }
0x94: {  	[sflag:s20] =	ssyncset.done $0x0  }
0x95: {  	s1 =	sadd.s32 $0x4EC, s8;
	[sflag:s20] =	ssyncadd.s32 $0xFFFFFFB0  }
0x96: {  	[tilespmem:s22], [sflag:$0x3] =	stream.linear.gather [hbm4b:s1+s3], $0x50, $0x38;
	[tilespmem:$0x19200] =	vst v63  }
0x97: {  	_ =	swait.ge [sflag:s20], $0x50  }
0x98: {  	[sflag:s20] =	ssyncset.done $0x0  }
0x99: {  	[sflag:s20] =	ssyncadd.s32 $0xFFFFFFB0  }
0x9a: {  	[tilespmem:s24], [sflag:$0x1] =	stream.indirect.gather [hbm4b:s6+s23], $0x80, s3, s23, $0xb8;
	[tilespmem:$0x19200] =	vst v63  }
0x9b: {  	_ =	swait.ge [sflag:s30], $0x2800  }
.Ltmp3:
0x9c: {  	[sflag:s30] =	ssyncset.done $0x0;
	(pc) =	sbr.rel @p1 .LBB2_6-.Ltmp3, $4  }
0x9d: {  	[sflag:s30] =	ssyncadd.s32 $0xFFFFD800  }
0x9e: {  	[spmem:s2] =	stream.indirect.scatter.add.f32 [tilespmem:s28], [sflag:$0x3], $0x80, s26, s23, $0xb8;
	[tilespmem:$0x19200] =	vst v63  }
0x9f: {  	_ =	swait.ge [sflag:s20], $0x2800  }
0xa0: {  	s8 =	smov.u32 s4;
	s1 =	sadd.s32 s0, s18;
	[sflag:s20] =	ssyncset.done $0x0  }
.Ltmp4:
0xa1: {  	_ = 	snop;
	(pc) =	sbr.rel .LBB2_7-.Ltmp4, $1  }
0xa2: {  	_ =	sdelay $0x3  }
.LBB2_2:
0xa3: {  	[spmem:s21], [sflag:s16] =	dma.local [hbm:s7], $0x800  }
0xa4: {  	_ =	swait.ge [sflag:s20], $0x800  }
0xa5: {  	[sflag:s20] =	ssyncset.done $0x0  }
0xa6: {  	s0 =	sshrl.u32 s13, $0x3;
	[sflag:s20] =	ssyncadd.s32 $0xFFFFF800  }
0xa7: {  	[spmem:s0], [sflag:s16] =	dma.local [hbm:s7], $0x800  }
0xa8: {  	_ =	swait.ge [sflag:s20], $0x800  }
0xa9: {  	[sflag:s20] =	ssyncset.done $0x0  }
0xaa: {  	s9 =	sshrl.u32 s14, $0x3;
	[sflag:s20] =	ssyncadd.s32 $0xFFFFF800  }
0xab: {  	[spmem:s9], [sflag:s16] =	dma.local [hbm:s7], $0x800  }
0xac: {  	_ =	swait.ge [sflag:s20], $0x800  }
0xad: {  	[sflag:s20] =	ssyncset.done $0x0  }
0xae: {  	s10 =	sshrl.u32 s15, $0x3;
	[sflag:s20] =	ssyncadd.s32 $0xFFFFF800  }
0xaf: {  	[spmem:s10], [sflag:s16] =	dma.local [hbm:s7], $0x800  }
0xb0: {  	_ =	swait.ge [sflag:s20], $0x800  }
0xb1: {  	[sflag:s20] =	ssyncset.done $0x0  }
0xb2: {  	[sflag:s20] =	ssyncadd.s32 $0xFFFFF800  }
0xb3: {  	[bflag:$0x0] =	sbarrier.arrive $0xFFFF  }
0xb4: {  	s1 =	rddreg [dreg:$0x5]  }
0xb5: {  	[tilespmem:s3], [sflag:$0x3] =	stream.linear.gather [hbm4b:s1+s3], $0x50, $0x38;
	[tilespmem:$0x19200] =	vst v63  }
0xb6: {  	_ =	swait.ge [sflag:s20], $0x50  }
0xb7: {  	[sflag:s20] =	ssyncset.done $0x0  }
0xb8: {  	s4 =	rddreg [dreg:$0x6];
	[sflag:s20] =	ssyncadd.s32 $0xFFFFFFB0  }
0xb9: {  	[tilespmem:s22], [sflag:$0x3] =	stream.linear.gather [hbm4b:s4+s3], $0x50, $0x38;
	[tilespmem:$0x19200] =	vst v63  }
0xba: {  	_ =	swait.ge [sflag:s20], $0x50  }
0xbb: {  	[sflag:s20] =	ssyncset.done $0x0  }
0xbc: {  	s8 =	sadd.s32 $0xFFFFFB28, s18;
	[sflag:s20] =	ssyncadd.s32 $0xFFFFFFB0  }
0xbd: {  	[tilespmem:s24], [sflag:$0x1] =	stream.indirect.gather [hbm4b:s5+s23], $0x80, s3, s23, $0xb8;
	[tilespmem:$0x19200] =	vst v63  }
0xbe: {  	s1 =	sadd.s32 $0x4E2, s8  }
0xbf: {  	[tilespmem:s25], [sflag:$0x3] =	stream.linear.gather [hbm4b:s1+s3], $0x50, $0x38;
	[tilespmem:$0x19200] =	vst v63  }
0xc0: {  	_ =	swait.ge [sflag:s20], $0x50  }
0xc1: {  	s9 =	sadd.s32 $0xFFFFFB28, s17;
	[sflag:s20] =	ssyncset.done $0x0  }
0xc2: {  	s4 =	sadd.s32 $0x4E2, s9;
	[sflag:s20] =	ssyncadd.s32 $0xFFFFFFB0  }
0xc3: {  	[tilespmem:s26], [sflag:$0x3] =	stream.linear.gather [hbm4b:s4+s3], $0x50, $0x38;
	[tilespmem:$0x19200] =	vst v63  }
0xc4: {  	_ =	swait.ge [sflag:s20], $0x50  }
0xc5: {  	[sflag:s20] =	ssyncset.done $0x0  }
0xc6: {  	[sflag:s20] =	ssyncadd.s32 $0xFFFFFFB0  }
0xc7: {  	[tilespmem:s28], [sflag:$0x2] =	stream.indirect.gather [hbm4b:s5+s23], $0x80, s25, s23, $0xb8;
	[tilespmem:$0x19200] =	vst v63  }
0xc8: {  	_ =	swait.ge [sflag:s29], $0x2800  }
0xc9: {  	[sflag:s29] =	ssyncset.done $0x0  }
0xca: {  	[sflag:s29] =	ssyncadd.s32 $0xFFFFD800  }
0xcb: {  	[spmem:s2] =	stream.indirect.scatter.add.f32 [tilespmem:s24], [sflag:$0x3], $0x80, s22, s23, $0xb8;
	[tilespmem:$0x19200] =	vst v63  }
0xcc: {  	_ =	swait.ge [sflag:s20], $0x2800  }
0xcd: {  	[sflag:s20] =	ssyncset.done $0x0  }
0xce: {  	s0 =	sadd.s32 $0x4EC, s8;
	[sflag:s20] =	ssyncadd.s32 $0xFFFFD800  }
0xcf: {  	[tilespmem:s3], [sflag:$0x3] =	stream.linear.gather [hbm4b:s0+s3], $0x50, $0x38;
	[tilespmem:$0x19200] =	vst v63  }
0xd0: {  	_ =	swait.ge [sflag:s20], $0x50  }
0xd1: {  	[sflag:s20] =	ssyncset.done $0x0  }
0xd2: {  	s10 =	sadd.s32 $0x4EC, s9;
	[sflag:s20] =	ssyncadd.s32 $0xFFFFFFB0  }
0xd3: {  	[tilespmem:s22], [sflag:$0x3] =	stream.linear.gather [hbm4b:s10+s3], $0x50, $0x38;
	[tilespmem:$0x19200] =	vst v63  }
0xd4: {  	_ =	swait.ge [sflag:s20], $0x50  }
0xd5: {  	[sflag:s20] =	ssyncset.done $0x0  }
0xd6: {  	[sflag:s20] =	ssyncadd.s32 $0xFFFFFFB0  }
0xd7: {  	[tilespmem:s24], [sflag:$0x1] =	stream.indirect.gather [hbm4b:s5+s23], $0x80, s3, s23, $0xb8;
	[tilespmem:$0x19200] =	vst v63  }
0xd8: {  	_ =	swait.ge [sflag:s30], $0x2800  }
0xd9: {  	[sflag:s30] =	ssyncset.done $0x0  }
0xda: {  	[sflag:s30] =	ssyncadd.s32 $0xFFFFD800  }
0xdb: {  	[spmem:s2] =	stream.indirect.scatter.add.f32 [tilespmem:s28], [sflag:$0x3], $0x80, s26, s23, $0xb8;
	[tilespmem:$0x19200] =	vst v63  }
0xdc: {  	s1 =	sadd.s32 $0xFFFFFB3C, s18;
	_ =	swait.ge [sflag:s20], $0x2800  }
0xdd: {  	s4 =	simm.s32 $0xFFFFFB50;
	s0 =	simm.s32 $0xFFFFFB3C;
	[sflag:s20] =	ssyncset.done $0x0  }
.LBB2_3:
0xde: {  	s9 =	sadd.s32 $0x4E2, s1  }
0xdf: {  	[sflag:s20] =	ssyncadd.s32 $0xFFFFD800;
	s10 =	smov.u32 s4;
	s8 =	sadd.s32 $0x14, s4  }
0xe0: {  	[tilespmem:s25], [sflag:$0x3] =	stream.linear.gather [hbm4b:s9+s3], $0x50, $0x38;
	[tilespmem:$0x19200] =	vst v63  }
0xe1: {  	p1 =	seq.s32 s4, $0xFFFFFFEC;
	_ =	swait.ge [sflag:s20], $0x50  }
0xe2: {  	s4 =	sadd.s32 s0, s17;
	s0 =	smov.u32 s10;
	[sflag:s20] =	ssyncset.done $0x0  }
0xe3: {  	s9 =	sadd.s32 $0x4E2, s4;
	[sflag:s20] =	ssyncadd.s32 $0xFFFFFFB0  }
0xe4: {  	[tilespmem:s26], [sflag:$0x3] =	stream.linear.gather [hbm4b:s9+s3], $0x50, $0x38;
	[tilespmem:$0x19200] =	vst v63  }
0xe5: {  	_ =	swait.ge [sflag:s20], $0x50  }
0xe6: {  	[sflag:s20] =	ssyncset.done $0x0  }
0xe7: {  	[sflag:s20] =	ssyncadd.s32 $0xFFFFFFB0  }
0xe8: {  	[tilespmem:s28], [sflag:$0x2] =	stream.indirect.gather [hbm4b:s5+s23], $0x80, s25, s23, $0xb8;
	[tilespmem:$0x19200] =	vst v63  }
0xe9: {  	_ =	swait.ge [sflag:s29], $0x2800  }
0xea: {  	[sflag:s29] =	ssyncset.done $0x0  }
0xeb: {  	[sflag:s29] =	ssyncadd.s32 $0xFFFFD800  }
0xec: {  	[spmem:s2] =	stream.indirect.scatter.add.f32 [tilespmem:s24], [sflag:$0x3], $0x80, s22, s23, $0xb8;
	[tilespmem:$0x19200] =	vst v63  }
0xed: {  	_ =	swait.ge [sflag:s20], $0x2800  }
0xee: {  	[sflag:s20] =	ssyncset.done $0x0  }
0xef: {  	s1 =	sadd.s32 $0x4EC, s1;
	[sflag:s20] =	ssyncadd.s32 $0xFFFFD800  }
0xf0: {  	[tilespmem:s3], [sflag:$0x3] =	stream.linear.gather [hbm4b:s1+s3], $0x50, $0x38;
	[tilespmem:$0x19200] =	vst v63  }
0xf1: {  	_ =	swait.ge [sflag:s20], $0x50  }
0xf2: {  	[sflag:s20] =	ssyncset.done $0x0  }
0xf3: {  	s1 =	sadd.s32 $0x4EC, s4;
	[sflag:s20] =	ssyncadd.s32 $0xFFFFFFB0  }
0xf4: {  	[tilespmem:s22], [sflag:$0x3] =	stream.linear.gather [hbm4b:s1+s3], $0x50, $0x38;
	[tilespmem:$0x19200] =	vst v63  }
0xf5: {  	_ =	swait.ge [sflag:s20], $0x50  }
0xf6: {  	[sflag:s20] =	ssyncset.done $0x0  }
0xf7: {  	[sflag:s20] =	ssyncadd.s32 $0xFFFFFFB0  }
0xf8: {  	[tilespmem:s24], [sflag:$0x1] =	stream.indirect.gather [hbm4b:s5+s23], $0x80, s3, s23, $0xb8;
	[tilespmem:$0x19200] =	vst v63  }
0xf9: {  	_ =	swait.ge [sflag:s30], $0x2800  }
.Ltmp5:
0xfa: {  	[sflag:s30] =	ssyncset.done $0x0;
	(pc) =	sbr.rel @!p1 .LBB2_3-.Ltmp5, $4  }
0xfb: {  	[sflag:s30] =	ssyncadd.s32 $0xFFFFD800  }
0xfc: {  	[spmem:s2] =	stream.indirect.scatter.add.f32 [tilespmem:s28], [sflag:$0x3], $0x80, s26, s23, $0xb8;
	[tilespmem:$0x19200] =	vst v63  }
0xfd: {  	_ =	swait.ge [sflag:s20], $0x2800  }
0xfe: {  	s4 =	smov.u32 s8;
	s1 =	sadd.s32 s0, s18;
	[sflag:s20] =	ssyncset.done $0x0  }
0xff: {  	s4 =	sadd.s32 $0x4E2, s1;
	[sflag:s20] =	ssyncadd.s32 $0xFFFFD800  }
0x100: {  	[tilespmem:s25], [sflag:$0x3] =	stream.linear.gather [hbm4b:s4+s3], $0x50, $0x38;
	[tilespmem:$0x19200] =	vst v63  }
0x101: {  	_ =	swait.ge [sflag:s20], $0x50  }
0x102: {  	s0 =	sadd.s32 s0, s17;
	[sflag:s20] =	ssyncset.done $0x0  }
0x103: {  	s9 =	sadd.s32 $0x4E2, s0;
	[sflag:s20] =	ssyncadd.s32 $0xFFFFFFB0  }
0x104: {  	[tilespmem:s26], [sflag:$0x3] =	stream.linear.gather [hbm4b:s9+s3], $0x50, $0x38;
	[tilespmem:$0x19200] =	vst v63  }
0x105: {  	_ =	swait.ge [sflag:s20], $0x50  }
0x106: {  	[sflag:s20] =	ssyncset.done $0x0  }
0x107: {  	[sflag:s20] =	ssyncadd.s32 $0xFFFFFFB0  }
0x108: {  	[tilespmem:s28], [sflag:$0x2] =	stream.indirect.gather [hbm4b:s5+s23], $0x80, s25, s23, $0xb8;
	[tilespmem:$0x19200] =	vst v63  }
0x109: {  	_ =	swait.ge [sflag:s29], $0x2800  }
0x10a: {  	[sflag:s29] =	ssyncset.done $0x0  }
0x10b: {  	[sflag:s29] =	ssyncadd.s32 $0xFFFFD800  }
0x10c: {  	[spmem:s2] =	stream.indirect.scatter.add.f32 [tilespmem:s24], [sflag:$0x3], $0x80, s22, s23, $0xb8;
	[tilespmem:$0x19200] =	vst v63  }
0x10d: {  	_ =	swait.ge [sflag:s20], $0x2800  }
0x10e: {  	[sflag:s20] =	ssyncset.done $0x0  }
0x10f: {  	s10 =	sadd.s32 $0x4EC, s1;
	[sflag:s20] =	ssyncadd.s32 $0xFFFFD800  }
0x110: {  	[tilespmem:s3], [sflag:$0x3] =	stream.linear.gather [hbm4b:s10+s3], $0x50, $0x38;
	[tilespmem:$0x19200] =	vst v63  }
0x111: {  	_ =	swait.ge [sflag:s20], $0x50  }
0x112: {  	[sflag:s20] =	ssyncset.done $0x0  }
0x113: {  	s0 =	sadd.s32 $0x4EC, s0;
	[sflag:s20] =	ssyncadd.s32 $0xFFFFFFB0  }
0x114: {  	[tilespmem:s22], [sflag:$0x3] =	stream.linear.gather [hbm4b:s0+s3], $0x50, $0x38;
	[tilespmem:$0x19200] =	vst v63  }
0x115: {  	_ =	swait.ge [sflag:s20], $0x50  }
0x116: {  	[sflag:s20] =	ssyncset.done $0x0  }
0x117: {  	[sflag:s20] =	ssyncadd.s32 $0xFFFFFFB0  }
0x118: {  	[tilespmem:s24], [sflag:$0x1] =	stream.indirect.gather [hbm4b:s5+s23], $0x80, s3, s23, $0xb8;
	[tilespmem:$0x19200] =	vst v63  }
0x119: {  	_ =	swait.ge [sflag:s30], $0x2800  }
0x11a: {  	[sflag:s30] =	ssyncset.done $0x0  }
0x11b: {  	[sflag:s30] =	ssyncadd.s32 $0xFFFFD800  }
0x11c: {  	[spmem:s2] =	stream.indirect.scatter.add.f32 [tilespmem:s28], [sflag:$0x3], $0x80, s26, s23, $0xb8;
	[tilespmem:$0x19200] =	vst v63  }
.Ltmp6:
0x11d: {  	_ = 	snop;
	(pc) =	sbr.rel .LBB2_8-.Ltmp6, $4  }
0x11e: {  	_ =	swait.ge [sflag:s20], $0x2800  }
0x11f: {  	[sflag:s20] =	ssyncset.done $0x0  }
0x120: {  	[sflag:s20] =	ssyncadd.s32 $0xFFFFD800  }
0x121: {  	s0 =	rddreg [dreg:$0x1]  }
.LBB2_9:
0x122: {  	_ =	sfence.sel $0x180000  }
0x123: {  	[bflag:$0x0] =	sbarrier.arrive $0xFFFF  }
0x124: {  	_ =	strace $0x90000047  }
0x125: {  	s0 =	stileid.u32;
	[bflag:$0x2] =	sbarrier.arrive $0xFFFF  }
0x126: {  	p0 =	sne.s32 s0, $0x0;
	s0 =	rddreg [dreg:$0x3]  }
0x127: {  	s0 =	sadd.s32 @!p0 $0x100000, s0  }
0x128: {  	[sflag:s0] =	ssyncadd.tile.s32 @!p0 $0x1;
	_ =	shalt  }
.Lfunc_end2:
_tile_overlayer_lowered:
.L_overlay_start_2:
0x129: {  	(tag) =	ssettag $0x2  }
0x12a: {  	s0 =	rddreg [dreg:$0x0];
	s2 =	stileid.u32  }
0x12b: {  	s1 =	rddreg [dreg:$0x1];
	p0 =	sne.s32 s2, $0x0  }
0x12c: {  	s3 =	rddreg [dreg:$0x2];
	[bflag:$0x3] =	sbarrier.arrive $0xFFFF;
	s2 =	simm.s32 @!p0 $0x1C03  }
0x12d: {  	[timem:s3], [sflag:s2] =	dma.local @!p0 [hbm:s0], s1  }
0x12e: {  	s0 =	simm.s32 @!p0 $0x3  }
0x12f: {  	_ =	swait.ge @!p0 [sflag:s0], s1  }
0x130: {  	s1 =	ssub.s32 @!p0 $0x0, s1;
	[sflag:s0] =	ssyncset.done @!p0 $0x0  }
0x131: {  	[sflag:s0] =	ssyncadd.s32 @!p0 s1  }
0x132: {  	[bflag:$0x3] =	sbarrier.arrive $0xFFFF  }
0x133: {  	_ =	shalt  }

</sc_bundles>
